<compile_context>
chip_gen: v7x
topology: tpu7x:2x2x1
jax: 0.10.2.dev20260603
libtpu: 0.0.44.dev20260713+nightly
codegen_flags: <defaults>
</compile_context>

<pallas_src>
import functools

import jax
import jax.numpy as jnp
from jax import lax
from jax.experimental import pallas as pl
from jax.experimental.pallas import tpu as pltpu
from jax.experimental.pallas import tpu_sc as plsc

D = 64
DP = 2 * D
NC, NS = 2, 16
NW = NC * NS
G = 128
CHUNK = G
NBUF = 8
LA = 4


def _make_kernel(B):
    b_per_w = B // NW
    n_iter = b_per_w // CHUNK
    assert b_per_w % CHUNK == 0 and (n_iter - NBUF) % NBUF == 0
    n_outer = (n_iter - NBUF) // NBUF
    mesh = plsc.VectorSubcoreMesh(core_axis_name="c", subcore_axis_name="s")

    @functools.partial(
        pl.kernel,
        mesh=mesh,
        out_type=jax.ShapeDtypeStruct((B, DP), jnp.float32),
        scratch_types=[
            pltpu.VMEM((n_iter, G), jnp.int32),
            pltpu.VMEM((NBUF * CHUNK, D), jnp.float32),
        ]
        + [pltpu.SemaphoreType.DMA] * (2 * NBUF),
        compiler_params=pltpu.CompilerParams(
            use_tc_tiling_on_sc=False, needs_layout_passes=False
        ),
    )
    def k(table, idx_hbm, out_hbm, idx_all, rows, *sems):
        gsem, osem = sems[:NBUF], sems[NBUF:]
        wid = lax.axis_index("s") * NC + lax.axis_index("c")
        pltpu.sync_copy(idx_hbm.at[pl.ds(wid * n_iter, n_iter)], idx_all)
        out_base = wid * b_per_w

        def fire(c, b):
            pltpu.async_copy(
                table.at[idx_all.at[c]],
                rows.at[pl.ds(b * CHUNK, CHUNK)],
                gsem[b],
            )

        def drain(b):
            pltpu.make_async_copy(
                table.at[pl.ds(0, CHUNK)],
                rows.at[pl.ds(b * CHUNK, CHUNK)],
                gsem[b],
            ).wait()

        def write(c, b):
            pltpu.async_copy(
                rows.at[pl.ds(b * CHUNK, CHUNK)],
                out_hbm.at[pl.ds(out_base + c * CHUNK, CHUNK), pl.ds(0, D)],
                osem[b],
            )

        def wait_write(b):
            pltpu.make_async_copy(
                rows.at[pl.ds(b * CHUNK, CHUNK)],
                out_hbm.at[pl.ds(0, CHUNK), pl.ds(0, D)],
                osem[b],
            ).wait()

        for c in range(LA):
            fire(c, c)
        for c in range(LA, NBUF):
            fire(c, c)
            drain(c - LA)
            write(c - LA, c - LA)

        def body(g, carry):
            c0 = NBUF + g * NBUF
            for b in range(NBUF):
                c = c0 + b
                wait_write(b)
                fire(c, b)
                bd = (b + NBUF - LA) % NBUF
                drain(bd)
                write(c - LA, bd)
            return carry

        lax.fori_loop(0, n_outer, body, 0)

        for c in range(n_iter - LA, n_iter):
            b = c % NBUF
            drain(b)
            write(c, b)
        for b in range(NBUF):
            wait_write(b)

    return k


def kernel(indices, weight):
    B = indices.shape[0] * indices.shape[1]
    V = weight.shape[0]
    wt = jnp.reshape(jnp.pad(weight, ((0, 0), (0, D))), (2 * V, D))
    idx = jnp.reshape(indices.astype(jnp.int32) * 2, (B // G, G))
    out_p = _make_kernel(B)(wt, idx)
    out = out_p[:, :D]
    return jnp.reshape(out, (*indices.shape, D))

# --- scband reference (transcript-rebuilt; emitter-appended) ---
"""Pipeline reference for scband-token-embedding-51041391346265 (READ-ONLY COPY).

The authoritative reference and input builder live on the scoring server;
editing this copy changes nothing except your own understanding.
"""

import jax, jax.numpy as jnp
import numpy as np

VOCAB = 1000000
D_MODEL = 64
BATCH = 4096
SEQ = 200
PADDING_IDX = 1


def setup_inputs(seed: int = 0) -> dict:
    key = jax.random.key(seed)
    idx = jax.random.randint(jax.random.fold_in(key, 1), (BATCH, SEQ), 0, VOCAB, dtype=jnp.int64 if jax.config.jax_enable_x64 else jnp.int32)
    weight = jax.random.normal(jax.random.fold_in(key, 2), (VOCAB, D_MODEL), dtype=jnp.float32) * 0.02
    # padding_idx=1 row is initialized to zeros, as in nn.Embedding
    weight = weight.at[PADDING_IDX].set(0.0)
    return {"indices": idx, "weight": weight}


def reference(indices, weight):
    # nn.Embedding forward with padding_idx=1: plain gather; the padding row
    # is kept at zero (handled at init / via masking for faithfulness).
    w = weight.at[PADDING_IDX].set(0.0)
    return jnp.take(w, indices, axis=0)

if __name__ == "__main__":
    import jax
    _d = setup_inputs()
    print(jax.jit(kernel)(*tuple(_d.values())))

</pallas_src>

<mosaic_0001>
#map = affine_map<(d0, d1) -> (0, 0)>
module attributes {stable_mosaic.version = 14 : i64} {
  func.func @k(%arg0: i32, %arg1: i32, %arg2: memref<2000000x64xf32, #tpu.memory_space<hbm>>, %arg3: memref<6400x128xi32, #tpu.memory_space<hbm>>, %arg4: memref<819200x128xf32, #tpu.memory_space<hbm>>, %arg5: memref<200x128xi32, #tpu.memory_space<vmem>>, %arg6: memref<1024x64xf32, #tpu.memory_space<vmem>>, %arg7: memref<!tpu.dma_semaphore, #tpu.memory_space<semaphore_mem>>, %arg8: memref<!tpu.dma_semaphore, #tpu.memory_space<semaphore_mem>>, %arg9: memref<!tpu.dma_semaphore, #tpu.memory_space<semaphore_mem>>, %arg10: memref<!tpu.dma_semaphore, #tpu.memory_space<semaphore_mem>>, %arg11: memref<!tpu.dma_semaphore, #tpu.memory_space<semaphore_mem>>, %arg12: memref<!tpu.dma_semaphore, #tpu.memory_space<semaphore_mem>>, %arg13: memref<!tpu.dma_semaphore, #tpu.memory_space<semaphore_mem>>, %arg14: memref<!tpu.dma_semaphore, #tpu.memory_space<semaphore_mem>>, %arg15: memref<!tpu.dma_semaphore, #tpu.memory_space<semaphore_mem>>, %arg16: memref<!tpu.dma_semaphore, #tpu.memory_space<semaphore_mem>>, %arg17: memref<!tpu.dma_semaphore, #tpu.memory_space<semaphore_mem>>, %arg18: memref<!tpu.dma_semaphore, #tpu.memory_space<semaphore_mem>>, %arg19: memref<!tpu.dma_semaphore, #tpu.memory_space<semaphore_mem>>, %arg20: memref<!tpu.dma_semaphore, #tpu.memory_space<semaphore_mem>>, %arg21: memref<!tpu.dma_semaphore, #tpu.memory_space<semaphore_mem>>, %arg22: memref<!tpu.dma_semaphore, #tpu.memory_space<semaphore_mem>>) attributes {dimension_semantics = [#tpu.dimension_semantics<core_parallel>, #tpu.dimension_semantics<subcore_parallel>], iteration_bounds = array<i64: 2, 16>, scalar_prefetch = 0 : i64, scratch_operands = 18 : i64, tpu.core_type = #tpu.core_type<sc_vector_subcore>, window_params = [{transform_indices = #map}, {transform_indices = #map}, {transform_indices = #map}]} {
    %mul3A = arith.constant 2 : i32
    %mul3A_0 = arith.muli %arg1, %mul3A : i32
    %add3A = arith.addi %mul3A_0, %arg0 : i32
    %mul3A_1 = arith.constant 200 : i32
    %mul3A_2 = arith.muli %add3A, %mul3A_1 : i32
    "tpu.region"() ({
      %run_scoped3A = tpu.sem_alloc : memref<!tpu.dma_semaphore, #tpu.memory_space<semaphore_mem>>
      %dma_start3A_376 = arith.constant 0 : i32
      %dma_start3A_377 = tpu.memref_slice %arg3[%mul3A_2, %dma_start3A_376] : memref<6400x128xi32, #tpu.memory_space<hbm>> -> memref<200x128xi32, #tpu.memory_space<hbm>>
      %dma_start3A_378 = arith.constant 0 : i32
      %dma_start3A_379 = tpu.memref_slice %arg3[%mul3A_2, %dma_start3A_378] : memref<6400x128xi32, #tpu.memory_space<hbm>> -> memref<200x128xi32, #tpu.memory_space<hbm>>
      tpu.enqueue_dma source(%dma_start3A_379 : memref<200x128xi32, #tpu.memory_space<hbm>>) target(%arg5 : memref<200x128xi32, #tpu.memory_space<vmem>>) target_semaphore(%run_scoped3A : memref<!tpu.dma_semaphore, #tpu.memory_space<semaphore_mem>>)
      %dma_wait3A_380 = arith.constant 0 : i32
      %dma_wait3A_381 = tpu.memref_slice %arg3[%mul3A_2, %dma_wait3A_380] : memref<6400x128xi32, #tpu.memory_space<hbm>> -> memref<200x128xi32, #tpu.memory_space<hbm>>
      %dma_wait3A_382 = arith.constant 0 : i32
      %dma_wait3A_383 = tpu.memref_slice %arg3[%mul3A_2, %dma_wait3A_382] : memref<6400x128xi32, #tpu.memory_space<hbm>> -> memref<200x128xi32, #tpu.memory_space<hbm>>
      tpu.wait_dma2 semaphore(%run_scoped3A : memref<!tpu.dma_semaphore, #tpu.memory_space<semaphore_mem>>) src(%dma_wait3A_383 : memref<200x128xi32, #tpu.memory_space<hbm>>) dst(%arg5 : memref<200x128xi32, #tpu.memory_space<vmem>>)
      tpu.yield
    }) : () -> ()
    %mul3A_3 = arith.constant 25600 : i32
    %mul3A_4 = arith.muli %add3A, %mul3A_3 : i32
    %dma_start3A = arith.constant 0 : i32
    %dma_start3A_5 = arith.constant 0 : i32
    %dma_start3A_6 = arith.constant 0 : i32
    %dma_start3A_7 = tpu.memref_slice %arg6[%dma_start3A_5, %dma_start3A_6] : memref<1024x64xf32, #tpu.memory_space<vmem>> -> memref<128x64xf32, #tpu.memory_space<vmem>>
    %dma_start3A_8 = arith.constant 0 : i32
    %dma_start3A_9 = tpu.memref_slice %arg5[%dma_start3A, %dma_start3A_8] : memref<200x128xi32, #tpu.memory_space<vmem>> -> memref<1x128xi32, #tpu.memory_space<vmem>>
    %dma_start3A_10 = tpu.memref_squeeze %dma_start3A_9 : memref<1x128xi32, #tpu.memory_space<vmem>> -> memref<128xi32, #tpu.memory_space<vmem>>
    %dma_start3A_11 = arith.constant 0 : i32
    %dma_start3A_12 = arith.constant 0 : i32
    %dma_start3A_13 = tpu.memref_slice %arg2[%dma_start3A_11, %dma_start3A_12] : memref<2000000x64xf32, #tpu.memory_space<hbm>> -> memref<2000000x64xf32, #tpu.memory_space<hbm>>
    tpu.enqueue_indirect_dma source(%dma_start3A_13 : memref<2000000x64xf32, #tpu.memory_space<hbm>>) target(%dma_start3A_7 : memref<128x64xf32, #tpu.memory_space<vmem>>) offsets(%dma_start3A_10 : memref<128xi32, #tpu.memory_space<vmem>>) semaphore(%arg7 : memref<!tpu.dma_semaphore, #tpu.memory_space<semaphore_mem>>)
    %dma_start3A_14 = arith.constant 1 : i32
    %dma_start3A_15 = arith.constant 128 : i32
    %dma_start3A_16 = arith.constant 0 : i32
    %dma_start3A_17 = tpu.memref_slice %arg6[%dma_start3A_15, %dma_start3A_16] : memref<1024x64xf32, #tpu.memory_space<vmem>> -> memref<128x64xf32, #tpu.memory_space<vmem>>
    %dma_start3A_18 = arith.constant 0 : i32
    %dma_start3A_19 = tpu.memref_slice %arg5[%dma_start3A_14, %dma_start3A_18] : memref<200x128xi32, #tpu.memory_space<vmem>> -> memref<1x128xi32, #tpu.memory_space<vmem>>
    %dma_start3A_20 = tpu.memref_squeeze %dma_start3A_19 : memref<1x128xi32, #tpu.memory_space<vmem>> -> memref<128xi32, #tpu.memory_space<vmem>>
    %dma_start3A_21 = arith.constant 0 : i32
    %dma_start3A_22 = arith.constant 0 : i32
    %dma_start3A_23 = tpu.memref_slice %arg2[%dma_start3A_21, %dma_start3A_22] : memref<2000000x64xf32, #tpu.memory_space<hbm>> -> memref<2000000x64xf32, #tpu.memory_space<hbm>>
    tpu.enqueue_indirect_dma source(%dma_start3A_23 : memref<2000000x64xf32, #tpu.memory_space<hbm>>) target(%dma_start3A_17 : memref<128x64xf32, #tpu.memory_space<vmem>>) offsets(%dma_start3A_20 : memref<128xi32, #tpu.memory_space<vmem>>) semaphore(%arg8 : memref<!tpu.dma_semaphore, #tpu.memory_space<semaphore_mem>>)
    %dma_start3A_24 = arith.constant 2 : i32
    %dma_start3A_25 = arith.constant 256 : i32
    %dma_start3A_26 = arith.constant 0 : i32
    %dma_start3A_27 = tpu.memref_slice %arg6[%dma_start3A_25, %dma_start3A_26] : memref<1024x64xf32, #tpu.memory_space<vmem>> -> memref<128x64xf32, #tpu.memory_space<vmem>>
    %dma_start3A_28 = arith.constant 0 : i32
    %dma_start3A_29 = tpu.memref_slice %arg5[%dma_start3A_24, %dma_start3A_28] : memref<200x128xi32, #tpu.memory_space<vmem>> -> memref<1x128xi32, #tpu.memory_space<vmem>>
    %dma_start3A_30 = tpu.memref_squeeze %dma_start3A_29 : memref<1x128xi32, #tpu.memory_space<vmem>> -> memref<128xi32, #tpu.memory_space<vmem>>
    %dma_start3A_31 = arith.constant 0 : i32
    %dma_start3A_32 = arith.constant 0 : i32
    %dma_start3A_33 = tpu.memref_slice %arg2[%dma_start3A_31, %dma_start3A_32] : memref<2000000x64xf32, #tpu.memory_space<hbm>> -> memref<2000000x64xf32, #tpu.memory_space<hbm>>
    tpu.enqueue_indirect_dma source(%dma_start3A_33 : memref<2000000x64xf32, #tpu.memory_space<hbm>>) target(%dma_start3A_27 : memref<128x64xf32, #tpu.memory_space<vmem>>) offsets(%dma_start3A_30 : memref<128xi32, #tpu.memory_space<vmem>>) semaphore(%arg9 : memref<!tpu.dma_semaphore, #tpu.memory_space<semaphore_mem>>)
    %dma_start3A_34 = arith.constant 3 : i32
    %dma_start3A_35 = arith.constant 384 : i32
    %dma_start3A_36 = arith.constant 0 : i32
    %dma_start3A_37 = tpu.memref_slice %arg6[%dma_start3A_35, %dma_start3A_36] : memref<1024x64xf32, #tpu.memory_space<vmem>> -> memref<128x64xf32, #tpu.memory_space<vmem>>
    %dma_start3A_38 = arith.constant 0 : i32
    %dma_start3A_39 = tpu.memref_slice %arg5[%dma_start3A_34, %dma_start3A_38] : memref<200x128xi32, #tpu.memory_space<vmem>> -> memref<1x128xi32, #tpu.memory_space<vmem>>
    %dma_start3A_40 = tpu.memref_squeeze %dma_start3A_39 : memref<1x128xi32, #tpu.memory_space<vmem>> -> memref<128xi32, #tpu.memory_space<vmem>>
    %dma_start3A_41 = arith.constant 0 : i32
    %dma_start3A_42 = arith.constant 0 : i32
    %dma_start3A_43 = tpu.memref_slice %arg2[%dma_start3A_41, %dma_start3A_42] : memref<2000000x64xf32, #tpu.memory_space<hbm>> -> memref<2000000x64xf32, #tpu.memory_space<hbm>>
    tpu.enqueue_indirect_dma source(%dma_start3A_43 : memref<2000000x64xf32, #tpu.memory_space<hbm>>) target(%dma_start3A_37 : memref<128x64xf32, #tpu.memory_space<vmem>>) offsets(%dma_start3A_40 : memref<128xi32, #tpu.memory_space<vmem>>) semaphore(%arg10 : memref<!tpu.dma_semaphore, #tpu.memory_space<semaphore_mem>>)
    %dma_start3A_44 = arith.constant 4 : i32
    %dma_start3A_45 = arith.constant 512 : i32
    %dma_start3A_46 = arith.constant 0 : i32
    %dma_start3A_47 = tpu.memref_slice %arg6[%dma_start3A_45, %dma_start3A_46] : memref<1024x64xf32, #tpu.memory_space<vmem>> -> memref<128x64xf32, #tpu.memory_space<vmem>>
    %dma_start3A_48 = arith.constant 0 : i32
    %dma_start3A_49 = tpu.memref_slice %arg5[%dma_start3A_44, %dma_start3A_48] : memref<200x128xi32, #tpu.memory_space<vmem>> -> memref<1x128xi32, #tpu.memory_space<vmem>>
    %dma_start3A_50 = tpu.memref_squeeze %dma_start3A_49 : memref<1x128xi32, #tpu.memory_space<vmem>> -> memref<128xi32, #tpu.memory_space<vmem>>
    %dma_start3A_51 = arith.constant 0 : i32
    %dma_start3A_52 = arith.constant 0 : i32
    %dma_start3A_53 = tpu.memref_slice %arg2[%dma_start3A_51, %dma_start3A_52] : memref<2000000x64xf32, #tpu.memory_space<hbm>> -> memref<2000000x64xf32, #tpu.memory_space<hbm>>
    tpu.enqueue_indirect_dma source(%dma_start3A_53 : memref<2000000x64xf32, #tpu.memory_space<hbm>>) target(%dma_start3A_47 : memref<128x64xf32, #tpu.memory_space<vmem>>) offsets(%dma_start3A_50 : memref<128xi32, #tpu.memory_space<vmem>>) semaphore(%arg11 : memref<!tpu.dma_semaphore, #tpu.memory_space<semaphore_mem>>)
    %dma_wait3A = arith.constant 0 : i32
    %dma_wait3A_54 = arith.constant 0 : i32
    %dma_wait3A_55 = tpu.memref_slice %arg6[%dma_wait3A, %dma_wait3A_54] : memref<1024x64xf32, #tpu.memory_space<vmem>> -> memref<128x64xf32, #tpu.memory_space<vmem>>
    %dma_wait3A_56 = arith.constant 0 : i32
    %dma_wait3A_57 = arith.constant 0 : i32
    %dma_wait3A_58 = tpu.memref_slice %arg2[%dma_wait3A_56, %dma_wait3A_57] : memref<2000000x64xf32, #tpu.memory_space<hbm>> -> memref<128x64xf32, #tpu.memory_space<hbm>>
    %dma_wait3A_59 = arith.constant 0 : i32
    %dma_wait3A_60 = arith.constant 0 : i32
    %dma_wait3A_61 = tpu.memref_slice %arg6[%dma_wait3A_59, %dma_wait3A_60] : memref<1024x64xf32, #tpu.memory_space<vmem>> -> memref<128x64xf32, #tpu.memory_space<vmem>>
    %dma_wait3A_62 = arith.constant 0 : i32
    %dma_wait3A_63 = arith.constant 0 : i32
    %dma_wait3A_64 = tpu.memref_slice %arg2[%dma_wait3A_62, %dma_wait3A_63] : memref<2000000x64xf32, #tpu.memory_space<hbm>> -> memref<128x64xf32, #tpu.memory_space<hbm>>
    tpu.wait_dma2 semaphore(%arg7 : memref<!tpu.dma_semaphore, #tpu.memory_space<semaphore_mem>>) src(%dma_wait3A_64 : memref<128x64xf32, #tpu.memory_space<hbm>>) dst(%dma_wait3A_61 : memref<128x64xf32, #tpu.memory_space<vmem>>)
    %add3A_65 = arith.constant 0 : i32
    %add3A_66 = arith.addi %mul3A_4, %add3A_65 : i32
    %dma_start3A_67 = arith.constant 0 : i32
    %dma_start3A_68 = arith.constant 0 : i32
    %dma_start3A_69 = tpu.memref_slice %arg6[%dma_start3A_67, %dma_start3A_68] : memref<1024x64xf32, #tpu.memory_space<vmem>> -> memref<128x64xf32, #tpu.memory_space<vmem>>
    %dma_start3A_70 = arith.constant 0 : i32
    %dma_start3A_71 = tpu.memref_slice %arg4[%add3A_66, %dma_start3A_70] : memref<819200x128xf32, #tpu.memory_space<hbm>> -> memref<128x64xf32, #tpu.memory_space<hbm>>
    %dma_start3A_72 = arith.constant 0 : i32
    %dma_start3A_73 = tpu.memref_slice %arg4[%add3A_66, %dma_start3A_72] : memref<819200x128xf32, #tpu.memory_space<hbm>> -> memref<128x64xf32, #tpu.memory_space<hbm>>
    %dma_start3A_74 = arith.constant 0 : i32
    %dma_start3A_75 = arith.constant 0 : i32
    %dma_start3A_76 = tpu.memref_slice %arg6[%dma_start3A_74, %dma_start3A_75] : memref<1024x64xf32, #tpu.memory_space<vmem>> -> memref<128x64xf32, #tpu.memory_space<vmem>>
    tpu.enqueue_dma source(%dma_start3A_76 : memref<128x64xf32, #tpu.memory_space<vmem>>) target(%dma_start3A_73 : memref<128x64xf32, #tpu.memory_space<hbm>>) target_semaphore(%arg15 : memref<!tpu.dma_semaphore, #tpu.memory_space<semaphore_mem>>)
    %dma_start3A_77 = arith.constant 5 : i32
    %dma_start3A_78 = arith.constant 640 : i32
    %dma_start3A_79 = arith.constant 0 : i32
    %dma_start3A_80 = tpu.memref_slice %arg6[%dma_start3A_78, %dma_start3A_79] : memref<1024x64xf32, #tpu.memory_space<vmem>> -> memref<128x64xf32, #tpu.memory_space<vmem>>
    %dma_start3A_81 = arith.constant 0 : i32
    %dma_start3A_82 = tpu.memref_slice %arg5[%dma_start3A_77, %dma_start3A_81] : memref<200x128xi32, #tpu.memory_space<vmem>> -> memref<1x128xi32, #tpu.memory_space<vmem>>
    %dma_start3A_83 = tpu.memref_squeeze %dma_start3A_82 : memref<1x128xi32, #tpu.memory_space<vmem>> -> memref<128xi32, #tpu.memory_space<vmem>>
    %dma_start3A_84 = arith.constant 0 : i32
    %dma_start3A_85 = arith.constant 0 : i32
    %dma_start3A_86 = tpu.memref_slice %arg2[%dma_start3A_84, %dma_start3A_85] : memref<2000000x64xf32, #tpu.memory_space<hbm>> -> memref<2000000x64xf32, #tpu.memory_space<hbm>>
    tpu.enqueue_indirect_dma source(%dma_start3A_86 : memref<2000000x64xf32, #tpu.memory_space<hbm>>) target(%dma_start3A_80 : memref<128x64xf32, #tpu.memory_space<vmem>>) offsets(%dma_start3A_83 : memref<128xi32, #tpu.memory_space<vmem>>) semaphore(%arg12 : memref<!tpu.dma_semaphore, #tpu.memory_space<semaphore_mem>>)
    %dma_wait3A_87 = arith.constant 128 : i32
    %dma_wait3A_88 = arith.constant 0 : i32
    %dma_wait3A_89 = tpu.memref_slice %arg6[%dma_wait3A_87, %dma_wait3A_88] : memref<1024x64xf32, #tpu.memory_space<vmem>> -> memref<128x64xf32, #tpu.memory_space<vmem>>
    %dma_wait3A_90 = arith.constant 0 : i32
    %dma_wait3A_91 = arith.constant 0 : i32
    %dma_wait3A_92 = tpu.memref_slice %arg2[%dma_wait3A_90, %dma_wait3A_91] : memref<2000000x64xf32, #tpu.memory_space<hbm>> -> memref<128x64xf32, #tpu.memory_space<hbm>>
    %dma_wait3A_93 = arith.constant 128 : i32
    %dma_wait3A_94 = arith.constant 0 : i32
    %dma_wait3A_95 = tpu.memref_slice %arg6[%dma_wait3A_93, %dma_wait3A_94] : memref<1024x64xf32, #tpu.memory_space<vmem>> -> memref<128x64xf32, #tpu.memory_space<vmem>>
    %dma_wait3A_96 = arith.constant 0 : i32
    %dma_wait3A_97 = arith.constant 0 : i32
    %dma_wait3A_98 = tpu.memref_slice %arg2[%dma_wait3A_96, %dma_wait3A_97] : memref<2000000x64xf32, #tpu.memory_space<hbm>> -> memref<128x64xf32, #tpu.memory_space<hbm>>
    tpu.wait_dma2 semaphore(%arg8 : memref<!tpu.dma_semaphore, #tpu.memory_space<semaphore_mem>>) src(%dma_wait3A_98 : memref<128x64xf32, #tpu.memory_space<hbm>>) dst(%dma_wait3A_95 : memref<128x64xf32, #tpu.memory_space<vmem>>)
    %add3A_99 = arith.constant 128 : i32
    %add3A_100 = arith.addi %mul3A_4, %add3A_99 : i32
    %dma_start3A_101 = arith.constant 128 : i32
    %dma_start3A_102 = arith.constant 0 : i32
    %dma_start3A_103 = tpu.memref_slice %arg6[%dma_start3A_101, %dma_start3A_102] : memref<1024x64xf32, #tpu.memory_space<vmem>> -> memref<128x64xf32, #tpu.memory_space<vmem>>
    %dma_start3A_104 = arith.constant 0 : i32
    %dma_start3A_105 = tpu.memref_slice %arg4[%add3A_100, %dma_start3A_104] : memref<819200x128xf32, #tpu.memory_space<hbm>> -> memref<128x64xf32, #tpu.memory_space<hbm>>
    %dma_start3A_106 = arith.constant 0 : i32
    %dma_start3A_107 = tpu.memref_slice %arg4[%add3A_100, %dma_start3A_106] : memref<819200x128xf32, #tpu.memory_space<hbm>> -> memref<128x64xf32, #tpu.memory_space<hbm>>
    %dma_start3A_108 = arith.constant 128 : i32
    %dma_start3A_109 = arith.constant 0 : i32
    %dma_start3A_110 = tpu.memref_slice %arg6[%dma_start3A_108, %dma_start3A_109] : memref<1024x64xf32, #tpu.memory_space<vmem>> -> memref<128x64xf32, #tpu.memory_space<vmem>>
    tpu.enqueue_dma source(%dma_start3A_110 : memref<128x64xf32, #tpu.memory_space<vmem>>) target(%dma_start3A_107 : memref<128x64xf32, #tpu.memory_space<hbm>>) target_semaphore(%arg16 : memref<!tpu.dma_semaphore, #tpu.memory_space<semaphore_mem>>)
    %dma_start3A_111 = arith.constant 6 : i32
    %dma_start3A_112 = arith.constant 768 : i32
    %dma_start3A_113 = arith.constant 0 : i32
    %dma_start3A_114 = tpu.memref_slice %arg6[%dma_start3A_112, %dma_start3A_113] : memref<1024x64xf32, #tpu.memory_space<vmem>> -> memref<128x64xf32, #tpu.memory_space<vmem>>
    %dma_start3A_115 = arith.constant 0 : i32
    %dma_start3A_116 = tpu.memref_slice %arg5[%dma_start3A_111, %dma_start3A_115] : memref<200x128xi32, #tpu.memory_space<vmem>> -> memref<1x128xi32, #tpu.memory_space<vmem>>
    %dma_start3A_117 = tpu.memref_squeeze %dma_start3A_116 : memref<1x128xi32, #tpu.memory_space<vmem>> -> memref<128xi32, #tpu.memory_space<vmem>>
    %dma_start3A_118 = arith.constant 0 : i32
    %dma_start3A_119 = arith.constant 0 : i32
    %dma_start3A_120 = tpu.memref_slice %arg2[%dma_start3A_118, %dma_start3A_119] : memref<2000000x64xf32, #tpu.memory_space<hbm>> -> memref<2000000x64xf32, #tpu.memory_space<hbm>>
    tpu.enqueue_indirect_dma source(%dma_start3A_120 : memref<2000000x64xf32, #tpu.memory_space<hbm>>) target(%dma_start3A_114 : memref<128x64xf32, #tpu.memory_space<vmem>>) offsets(%dma_start3A_117 : memref<128xi32, #tpu.memory_space<vmem>>) semaphore(%arg13 : memref<!tpu.dma_semaphore, #tpu.memory_space<semaphore_mem>>)
    %dma_wait3A_121 = arith.constant 256 : i32
    %dma_wait3A_122 = arith.constant 0 : i32
    %dma_wait3A_123 = tpu.memref_slice %arg6[%dma_wait3A_121, %dma_wait3A_122] : memref<1024x64xf32, #tpu.memory_space<vmem>> -> memref<128x64xf32, #tpu.memory_space<vmem>>
    %dma_wait3A_124 = arith.constant 0 : i32
    %dma_wait3A_125 = arith.constant 0 : i32
    %dma_wait3A_126 = tpu.memref_slice %arg2[%dma_wait3A_124, %dma_wait3A_125] : memref<2000000x64xf32, #tpu.memory_space<hbm>> -> memref<128x64xf32, #tpu.memory_space<hbm>>
    %dma_wait3A_127 = arith.constant 256 : i32
    %dma_wait3A_128 = arith.constant 0 : i32
    %dma_wait3A_129 = tpu.memref_slice %arg6[%dma_wait3A_127, %dma_wait3A_128] : memref<1024x64xf32, #tpu.memory_space<vmem>> -> memref<128x64xf32, #tpu.memory_space<vmem>>
    %dma_wait3A_130 = arith.constant 0 : i32
    %dma_wait3A_131 = arith.constant 0 : i32
    %dma_wait3A_132 = tpu.memref_slice %arg2[%dma_wait3A_130, %dma_wait3A_131] : memref<2000000x64xf32, #tpu.memory_space<hbm>> -> memref<128x64xf32, #tpu.memory_space<hbm>>
    tpu.wait_dma2 semaphore(%arg9 : memref<!tpu.dma_semaphore, #tpu.memory_space<semaphore_mem>>) src(%dma_wait3A_132 : memref<128x64xf32, #tpu.memory_space<hbm>>) dst(%dma_wait3A_129 : memref<128x64xf32, #tpu.memory_space<vmem>>)
    %add3A_133 = arith.constant 256 : i32
    %add3A_134 = arith.addi %mul3A_4, %add3A_133 : i32
    %dma_start3A_135 = arith.constant 256 : i32
    %dma_start3A_136 = arith.constant 0 : i32
    %dma_start3A_137 = tpu.memref_slice %arg6[%dma_start3A_135, %dma_start3A_136] : memref<1024x64xf32, #tpu.memory_space<vmem>> -> memref<128x64xf32, #tpu.memory_space<vmem>>
    %dma_start3A_138 = arith.constant 0 : i32
    %dma_start3A_139 = tpu.memref_slice %arg4[%add3A_134, %dma_start3A_138] : memref<819200x128xf32, #tpu.memory_space<hbm>> -> memref<128x64xf32, #tpu.memory_space<hbm>>
    %dma_start3A_140 = arith.constant 0 : i32
    %dma_start3A_141 = tpu.memref_slice %arg4[%add3A_134, %dma_start3A_140] : memref<819200x128xf32, #tpu.memory_space<hbm>> -> memref<128x64xf32, #tpu.memory_space<hbm>>
    %dma_start3A_142 = arith.constant 256 : i32
    %dma_start3A_143 = arith.constant 0 : i32
    %dma_start3A_144 = tpu.memref_slice %arg6[%dma_start3A_142, %dma_start3A_143] : memref<1024x64xf32, #tpu.memory_space<vmem>> -> memref<128x64xf32, #tpu.memory_space<vmem>>
    tpu.enqueue_dma source(%dma_start3A_144 : memref<128x64xf32, #tpu.memory_space<vmem>>) target(%dma_start3A_141 : memref<128x64xf32, #tpu.memory_space<hbm>>) target_semaphore(%arg17 : memref<!tpu.dma_semaphore, #tpu.memory_space<semaphore_mem>>)
    %dma_start3A_145 = arith.constant 7 : i32
    %dma_start3A_146 = arith.constant 896 : i32
    %dma_start3A_147 = arith.constant 0 : i32
    %dma_start3A_148 = tpu.memref_slice %arg6[%dma_start3A_146, %dma_start3A_147] : memref<1024x64xf32, #tpu.memory_space<vmem>> -> memref<128x64xf32, #tpu.memory_space<vmem>>
    %dma_start3A_149 = arith.constant 0 : i32
    %dma_start3A_150 = tpu.memref_slice %arg5[%dma_start3A_145, %dma_start3A_149] : memref<200x128xi32, #tpu.memory_space<vmem>> -> memref<1x128xi32, #tpu.memory_space<vmem>>
    %dma_start3A_151 = tpu.memref_squeeze %dma_start3A_150 : memref<1x128xi32, #tpu.memory_space<vmem>> -> memref<128xi32, #tpu.memory_space<vmem>>
    %dma_start3A_152 = arith.constant 0 : i32
    %dma_start3A_153 = arith.constant 0 : i32
    %dma_start3A_154 = tpu.memref_slice %arg2[%dma_start3A_152, %dma_start3A_153] : memref<2000000x64xf32, #tpu.memory_space<hbm>> -> memref<2000000x64xf32, #tpu.memory_space<hbm>>
    tpu.enqueue_indirect_dma source(%dma_start3A_154 : memref<2000000x64xf32, #tpu.memory_space<hbm>>) target(%dma_start3A_148 : memref<128x64xf32, #tpu.memory_space<vmem>>) offsets(%dma_start3A_151 : memref<128xi32, #tpu.memory_space<vmem>>) semaphore(%arg14 : memref<!tpu.dma_semaphore, #tpu.memory_space<semaphore_mem>>)
    %dma_wait3A_155 = arith.constant 384 : i32
    %dma_wait3A_156 = arith.constant 0 : i32
    %dma_wait3A_157 = tpu.memref_slice %arg6[%dma_wait3A_155, %dma_wait3A_156] : memref<1024x64xf32, #tpu.memory_space<vmem>> -> memref<128x64xf32, #tpu.memory_space<vmem>>
    %dma_wait3A_158 = arith.constant 0 : i32
    %dma_wait3A_159 = arith.constant 0 : i32
    %dma_wait3A_160 = tpu.memref_slice %arg2[%dma_wait3A_158, %dma_wait3A_159] : memref<2000000x64xf32, #tpu.memory_space<hbm>> -> memref<128x64xf32, #tpu.memory_space<hbm>>
    %dma_wait3A_161 = arith.constant 384 : i32
    %dma_wait3A_162 = arith.constant 0 : i32
    %dma_wait3A_163 = tpu.memref_slice %arg6[%dma_wait3A_161, %dma_wait3A_162] : memref<1024x64xf32, #tpu.memory_space<vmem>> -> memref<128x64xf32, #tpu.memory_space<vmem>>
    %dma_wait3A_164 = arith.constant 0 : i32
    %dma_wait3A_165 = arith.constant 0 : i32
    %dma_wait3A_166 = tpu.memref_slice %arg2[%dma_wait3A_164, %dma_wait3A_165] : memref<2000000x64xf32, #tpu.memory_space<hbm>> -> memref<128x64xf32, #tpu.memory_space<hbm>>
    tpu.wait_dma2 semaphore(%arg10 : memref<!tpu.dma_semaphore, #tpu.memory_space<semaphore_mem>>) src(%dma_wait3A_166 : memref<128x64xf32, #tpu.memory_space<hbm>>) dst(%dma_wait3A_163 : memref<128x64xf32, #tpu.memory_space<vmem>>)
    %add3A_167 = arith.constant 384 : i32
    %add3A_168 = arith.addi %mul3A_4, %add3A_167 : i32
    %dma_start3A_169 = arith.constant 384 : i32
    %dma_start3A_170 = arith.constant 0 : i32
    %dma_start3A_171 = tpu.memref_slice %arg6[%dma_start3A_169, %dma_start3A_170] : memref<1024x64xf32, #tpu.memory_space<vmem>> -> memref<128x64xf32, #tpu.memory_space<vmem>>
    %dma_start3A_172 = arith.constant 0 : i32
    %dma_start3A_173 = tpu.memref_slice %arg4[%add3A_168, %dma_start3A_172] : memref<819200x128xf32, #tpu.memory_space<hbm>> -> memref<128x64xf32, #tpu.memory_space<hbm>>
    %dma_start3A_174 = arith.constant 0 : i32
    %dma_start3A_175 = tpu.memref_slice %arg4[%add3A_168, %dma_start3A_174] : memref<819200x128xf32, #tpu.memory_space<hbm>> -> memref<128x64xf32, #tpu.memory_space<hbm>>
    %dma_start3A_176 = arith.constant 384 : i32
    %dma_start3A_177 = arith.constant 0 : i32
    %dma_start3A_178 = tpu.memref_slice %arg6[%dma_start3A_176, %dma_start3A_177] : memref<1024x64xf32, #tpu.memory_space<vmem>> -> memref<128x64xf32, #tpu.memory_space<vmem>>
    tpu.enqueue_dma source(%dma_start3A_178 : memref<128x64xf32, #tpu.memory_space<vmem>>) target(%dma_start3A_175 : memref<128x64xf32, #tpu.memory_space<hbm>>) target_semaphore(%arg18 : memref<!tpu.dma_semaphore, #tpu.memory_space<semaphore_mem>>)
    %scan3A = arith.constant 0 : i32
    %scan3A_179 = arith.constant 0 : i32
    %scan3A_180 = arith.constant 24 : i32
    %scan3A_181 = arith.addi %scan3A_179, %scan3A_180 : i32
    %scan3A_182 = arith.constant 1 : i32
    scf.for %scan3A_376 = %scan3A_179 to %scan3A_181 step %scan3A_182  : i32 {
      %mul3A_377 = arith.constant 8 : i32
      %mul3A_378 = arith.muli %scan3A_376, %mul3A_377 : i32
      %add3A_379 = arith.constant 8 : i32
      %add3A_380 = arith.addi %add3A_379, %mul3A_378 : i32
      %add3A_381 = arith.constant 0 : i32
      %add3A_382 = arith.addi %add3A_380, %add3A_381 : i32
      %dma_wait3A_383 = arith.constant 0 : i32
      %dma_wait3A_384 = arith.constant 0 : i32
      %dma_wait3A_385 = tpu.memref_slice %arg6[%dma_wait3A_383, %dma_wait3A_384] : memref<1024x64xf32, #tpu.memory_space<vmem>> -> memref<128x64xf32, #tpu.memory_space<vmem>>
      %dma_wait3A_386 = arith.constant 0 : i32
      %dma_wait3A_387 = arith.constant 0 : i32
      %dma_wait3A_388 = tpu.memref_slice %arg4[%dma_wait3A_386, %dma_wait3A_387] : memref<819200x128xf32, #tpu.memory_space<hbm>> -> memref<128x64xf32, #tpu.memory_space<hbm>>
      %dma_wait3A_389 = arith.constant 0 : i32
      %dma_wait3A_390 = arith.constant 0 : i32
      %dma_wait3A_391 = tpu.memref_slice %arg4[%dma_wait3A_389, %dma_wait3A_390] : memref<819200x128xf32, #tpu.memory_space<hbm>> -> memref<128x64xf32, #tpu.memory_space<hbm>>
      %dma_wait3A_392 = arith.constant 0 : i32
      %dma_wait3A_393 = arith.constant 0 : i32
      %dma_wait3A_394 = tpu.memref_slice %arg6[%dma_wait3A_392, %dma_wait3A_393] : memref<1024x64xf32, #tpu.memory_space<vmem>> -> memref<128x64xf32, #tpu.memory_space<vmem>>
      tpu.wait_dma2 semaphore(%arg15 : memref<!tpu.dma_semaphore, #tpu.memory_space<semaphore_mem>>) src(%dma_wait3A_394 : memref<128x64xf32, #tpu.memory_space<vmem>>) dst(%dma_wait3A_391 : memref<128x64xf32, #tpu.memory_space<hbm>>)
      %dma_start3A_395 = arith.constant 0 : i32
      %dma_start3A_396 = arith.constant 0 : i32
      %dma_start3A_397 = tpu.memref_slice %arg6[%dma_start3A_395, %dma_start3A_396] : memref<1024x64xf32, #tpu.memory_space<vmem>> -> memref<128x64xf32, #tpu.memory_space<vmem>>
      %dma_start3A_398 = arith.constant 0 : i32
      %dma_start3A_399 = tpu.memref_slice %arg5[%add3A_382, %dma_start3A_398] : memref<200x128xi32, #tpu.memory_space<vmem>> -> memref<1x128xi32, #tpu.memory_space<vmem>>
      %dma_start3A_400 = tpu.memref_squeeze %dma_start3A_399 : memref<1x128xi32, #tpu.memory_space<vmem>> -> memref<128xi32, #tpu.memory_space<vmem>>
      %dma_start3A_401 = arith.constant 0 : i32
      %dma_start3A_402 = arith.constant 0 : i32
      %dma_start3A_403 = tpu.memref_slice %arg2[%dma_start3A_401, %dma_start3A_402] : memref<2000000x64xf32, #tpu.memory_space<hbm>> -> memref<2000000x64xf32, #tpu.memory_space<hbm>>
      tpu.enqueue_indirect_dma source(%dma_start3A_403 : memref<2000000x64xf32, #tpu.memory_space<hbm>>) target(%dma_start3A_397 : memref<128x64xf32, #tpu.memory_space<vmem>>) offsets(%dma_start3A_400 : memref<128xi32, #tpu.memory_space<vmem>>) semaphore(%arg7 : memref<!tpu.dma_semaphore, #tpu.memory_space<semaphore_mem>>)
      %dma_wait3A_404 = arith.constant 512 : i32
      %dma_wait3A_405 = arith.constant 0 : i32
      %dma_wait3A_406 = tpu.memref_slice %arg6[%dma_wait3A_404, %dma_wait3A_405] : memref<1024x64xf32, #tpu.memory_space<vmem>> -> memref<128x64xf32, #tpu.memory_space<vmem>>
      %dma_wait3A_407 = arith.constant 0 : i32
      %dma_wait3A_408 = arith.constant 0 : i32
      %dma_wait3A_409 = tpu.memref_slice %arg2[%dma_wait3A_407, %dma_wait3A_408] : memref<2000000x64xf32, #tpu.memory_space<hbm>> -> memref<128x64xf32, #tpu.memory_space<hbm>>
      %dma_wait3A_410 = arith.constant 512 : i32
      %dma_wait3A_411 = arith.constant 0 : i32
      %dma_wait3A_412 = tpu.memref_slice %arg6[%dma_wait3A_410, %dma_wait3A_411] : memref<1024x64xf32, #tpu.memory_space<vmem>> -> memref<128x64xf32, #tpu.memory_space<vmem>>
      %dma_wait3A_413 = arith.constant 0 : i32
      %dma_wait3A_414 = arith.constant 0 : i32
      %dma_wait3A_415 = tpu.memref_slice %arg2[%dma_wait3A_413, %dma_wait3A_414] : memref<2000000x64xf32, #tpu.memory_space<hbm>> -> memref<128x64xf32, #tpu.memory_space<hbm>>
      tpu.wait_dma2 semaphore(%arg11 : memref<!tpu.dma_semaphore, #tpu.memory_space<semaphore_mem>>) src(%dma_wait3A_415 : memref<128x64xf32, #tpu.memory_space<hbm>>) dst(%dma_wait3A_412 : memref<128x64xf32, #tpu.memory_space<vmem>>)
      %sub3A = arith.constant 4 : i32
      %sub3A_416 = arith.subi %add3A_382, %sub3A : i32
      %mul3A_417 = arith.constant 128 : i32
      %mul3A_418 = arith.muli %sub3A_416, %mul3A_417 : i32
      %add3A_419 = arith.addi %mul3A_4, %mul3A_418 : i32
      %dma_start3A_420 = arith.constant 512 : i32
      %dma_start3A_421 = arith.constant 0 : i32
      %dma_start3A_422 = tpu.memref_slice %arg6[%dma_start3A_420, %dma_start3A_421] : memref<1024x64xf32, #tpu.memory_space<vmem>> -> memref<128x64xf32, #tpu.memory_space<vmem>>
      %dma_start3A_423 = arith.constant 0 : i32
      %dma_start3A_424 = tpu.memref_slice %arg4[%add3A_419, %dma_start3A_423] : memref<819200x128xf32, #tpu.memory_space<hbm>> -> memref<128x64xf32, #tpu.memory_space<hbm>>
      %dma_start3A_425 = arith.constant 0 : i32
      %dma_start3A_426 = tpu.memref_slice %arg4[%add3A_419, %dma_start3A_425] : memref<819200x128xf32, #tpu.memory_space<hbm>> -> memref<128x64xf32, #tpu.memory_space<hbm>>
      %dma_start3A_427 = arith.constant 512 : i32
      %dma_start3A_428 = arith.constant 0 : i32
      %dma_start3A_429 = tpu.memref_slice %arg6[%dma_start3A_427, %dma_start3A_428] : memref<1024x64xf32, #tpu.memory_space<vmem>> -> memref<128x64xf32, #tpu.memory_space<vmem>>
      tpu.enqueue_dma source(%dma_start3A_429 : memref<128x64xf32, #tpu.memory_space<vmem>>) target(%dma_start3A_426 : memref<128x64xf32, #tpu.memory_space<hbm>>) target_semaphore(%arg19 : memref<!tpu.dma_semaphore, #tpu.memory_space<semaphore_mem>>)
      %add3A_430 = arith.constant 1 : i32
      %add3A_431 = arith.addi %add3A_380, %add3A_430 : i32
      %dma_wait3A_432 = arith.constant 128 : i32
      %dma_wait3A_433 = arith.constant 0 : i32
      %dma_wait3A_434 = tpu.memref_slice %arg6[%dma_wait3A_432, %dma_wait3A_433] : memref<1024x64xf32, #tpu.memory_space<vmem>> -> memref<128x64xf32, #tpu.memory_space<vmem>>
      %dma_wait3A_435 = arith.constant 0 : i32
      %dma_wait3A_436 = arith.constant 0 : i32
      %dma_wait3A_437 = tpu.memref_slice %arg4[%dma_wait3A_435, %dma_wait3A_436] : memref<819200x128xf32, #tpu.memory_space<hbm>> -> memref<128x64xf32, #tpu.memory_space<hbm>>
      %dma_wait3A_438 = arith.constant 0 : i32
      %dma_wait3A_439 = arith.constant 0 : i32
      %dma_wait3A_440 = tpu.memref_slice %arg4[%dma_wait3A_438, %dma_wait3A_439] : memref<819200x128xf32, #tpu.memory_space<hbm>> -> memref<128x64xf32, #tpu.memory_space<hbm>>
      %dma_wait3A_441 = arith.constant 128 : i32
      %dma_wait3A_442 = arith.constant 0 : i32
      %dma_wait3A_443 = tpu.memref_slice %arg6[%dma_wait3A_441, %dma_wait3A_442] : memref<1024x64xf32, #tpu.memory_space<vmem>> -> memref<128x64xf32, #tpu.memory_space<vmem>>
      tpu.wait_dma2 semaphore(%arg16 : memref<!tpu.dma_semaphore, #tpu.memory_space<semaphore_mem>>) src(%dma_wait3A_443 : memref<128x64xf32, #tpu.memory_space<vmem>>) dst(%dma_wait3A_440 : memref<128x64xf32, #tpu.memory_space<hbm>>)
      %dma_start3A_444 = arith.constant 128 : i32
      %dma_start3A_445 = arith.constant 0 : i32
      %dma_start3A_446 = tpu.memref_slice %arg6[%dma_start3A_444, %dma_start3A_445] : memref<1024x64xf32, #tpu.memory_space<vmem>> -> memref<128x64xf32, #tpu.memory_space<vmem>>
      %dma_start3A_447 = arith.constant 0 : i32
      %dma_start3A_448 = tpu.memref_slice %arg5[%add3A_431, %dma_start3A_447] : memref<200x128xi32, #tpu.memory_space<vmem>> -> memref<1x128xi32, #tpu.memory_space<vmem>>
      %dma_start3A_449 = tpu.memref_squeeze %dma_start3A_448 : memref<1x128xi32, #tpu.memory_space<vmem>> -> memref<128xi32, #tpu.memory_space<vmem>>
      %dma_start3A_450 = arith.constant 0 : i32
      %dma_start3A_451 = arith.constant 0 : i32
      %dma_start3A_452 = tpu.memref_slice %arg2[%dma_start3A_450, %dma_start3A_451] : memref<2000000x64xf32, #tpu.memory_space<hbm>> -> memref<2000000x64xf32, #tpu.memory_space<hbm>>
      tpu.enqueue_indirect_dma source(%dma_start3A_452 : memref<2000000x64xf32, #tpu.memory_space<hbm>>) target(%dma_start3A_446 : memref<128x64xf32, #tpu.memory_space<vmem>>) offsets(%dma_start3A_449 : memref<128xi32, #tpu.memory_space<vmem>>) semaphore(%arg8 : memref<!tpu.dma_semaphore, #tpu.memory_space<semaphore_mem>>)
      %dma_wait3A_453 = arith.constant 640 : i32
      %dma_wait3A_454 = arith.constant 0 : i32
      %dma_wait3A_455 = tpu.memref_slice %arg6[%dma_wait3A_453, %dma_wait3A_454] : memref<1024x64xf32, #tpu.memory_space<vmem>> -> memref<128x64xf32, #tpu.memory_space<vmem>>
      %dma_wait3A_456 = arith.constant 0 : i32
      %dma_wait3A_457 = arith.constant 0 : i32
      %dma_wait3A_458 = tpu.memref_slice %arg2[%dma_wait3A_456, %dma_wait3A_457] : memref<2000000x64xf32, #tpu.memory_space<hbm>> -> memref<128x64xf32, #tpu.memory_space<hbm>>
      %dma_wait3A_459 = arith.constant 640 : i32
      %dma_wait3A_460 = arith.constant 0 : i32
      %dma_wait3A_461 = tpu.memref_slice %arg6[%dma_wait3A_459, %dma_wait3A_460] : memref<1024x64xf32, #tpu.memory_space<vmem>> -> memref<128x64xf32, #tpu.memory_space<vmem>>
      %dma_wait3A_462 = arith.constant 0 : i32
      %dma_wait3A_463 = arith.constant 0 : i32
      %dma_wait3A_464 = tpu.memref_slice %arg2[%dma_wait3A_462, %dma_wait3A_463] : memref<2000000x64xf32, #tpu.memory_space<hbm>> -> memref<128x64xf32, #tpu.memory_space<hbm>>
      tpu.wait_dma2 semaphore(%arg12 : memref<!tpu.dma_semaphore, #tpu.memory_space<semaphore_mem>>) src(%dma_wait3A_464 : memref<128x64xf32, #tpu.memory_space<hbm>>) dst(%dma_wait3A_461 : memref<128x64xf32, #tpu.memory_space<vmem>>)
      %sub3A_465 = arith.constant 4 : i32
      %sub3A_466 = arith.subi %add3A_431, %sub3A_465 : i32
      %mul3A_467 = arith.constant 128 : i32
      %mul3A_468 = arith.muli %sub3A_466, %mul3A_467 : i32
      %add3A_469 = arith.addi %mul3A_4, %mul3A_468 : i32
      %dma_start3A_470 = arith.constant 640 : i32
      %dma_start3A_471 = arith.constant 0 : i32
      %dma_start3A_472 = tpu.memref_slice %arg6[%dma_start3A_470, %dma_start3A_471] : memref<1024x64xf32, #tpu.memory_space<vmem>> -> memref<128x64xf32, #tpu.memory_space<vmem>>
      %dma_start3A_473 = arith.constant 0 : i32
      %dma_start3A_474 = tpu.memref_slice %arg4[%add3A_469, %dma_start3A_473] : memref<819200x128xf32, #tpu.memory_space<hbm>> -> memref<128x64xf32, #tpu.memory_space<hbm>>
      %dma_start3A_475 = arith.constant 0 : i32
      %dma_start3A_476 = tpu.memref_slice %arg4[%add3A_469, %dma_start3A_475] : memref<819200x128xf32, #tpu.memory_space<hbm>> -> memref<128x64xf32, #tpu.memory_space<hbm>>
      %dma_start3A_477 = arith.constant 640 : i32
      %dma_start3A_478 = arith.constant 0 : i32
      %dma_start3A_479 = tpu.memref_slice %arg6[%dma_start3A_477, %dma_start3A_478] : memref<1024x64xf32, #tpu.memory_space<vmem>> -> memref<128x64xf32, #tpu.memory_space<vmem>>
      tpu.enqueue_dma source(%dma_start3A_479 : memref<128x64xf32, #tpu.memory_space<vmem>>) target(%dma_start3A_476 : memref<128x64xf32, #tpu.memory_space<hbm>>) target_semaphore(%arg20 : memref<!tpu.dma_semaphore, #tpu.memory_space<semaphore_mem>>)
      %add3A_480 = arith.constant 2 : i32
      %add3A_481 = arith.addi %add3A_380, %add3A_480 : i32
      %dma_wait3A_482 = arith.constant 256 : i32
      %dma_wait3A_483 = arith.constant 0 : i32
      %dma_wait3A_484 = tpu.memref_slice %arg6[%dma_wait3A_482, %dma_wait3A_483] : memref<1024x64xf32, #tpu.memory_space<vmem>> -> memref<128x64xf32, #tpu.memory_space<vmem>>
      %dma_wait3A_485 = arith.constant 0 : i32
      %dma_wait3A_486 = arith.constant 0 : i32
      %dma_wait3A_487 = tpu.memref_slice %arg4[%dma_wait3A_485, %dma_wait3A_486] : memref<819200x128xf32, #tpu.memory_space<hbm>> -> memref<128x64xf32, #tpu.memory_space<hbm>>
      %dma_wait3A_488 = arith.constant 0 : i32
      %dma_wait3A_489 = arith.constant 0 : i32
      %dma_wait3A_490 = tpu.memref_slice %arg4[%dma_wait3A_488, %dma_wait3A_489] : memref<819200x128xf32, #tpu.memory_space<hbm>> -> memref<128x64xf32, #tpu.memory_space<hbm>>
      %dma_wait3A_491 = arith.constant 256 : i32
      %dma_wait3A_492 = arith.constant 0 : i32
      %dma_wait3A_493 = tpu.memref_slice %arg6[%dma_wait3A_491, %dma_wait3A_492] : memref<1024x64xf32, #tpu.memory_space<vmem>> -> memref<128x64xf32, #tpu.memory_space<vmem>>
      tpu.wait_dma2 semaphore(%arg17 : memref<!tpu.dma_semaphore, #tpu.memory_space<semaphore_mem>>) src(%dma_wait3A_493 : memref<128x64xf32, #tpu.memory_space<vmem>>) dst(%dma_wait3A_490 : memref<128x64xf32, #tpu.memory_space<hbm>>)
      %dma_start3A_494 = arith.constant 256 : i32
      %dma_start3A_495 = arith.constant 0 : i32
      %dma_start3A_496 = tpu.memref_slice %arg6[%dma_start3A_494, %dma_start3A_495] : memref<1024x64xf32, #tpu.memory_space<vmem>> -> memref<128x64xf32, #tpu.memory_space<vmem>>
      %dma_start3A_497 = arith.constant 0 : i32
      %dma_start3A_498 = tpu.memref_slice %arg5[%add3A_481, %dma_start3A_497] : memref<200x128xi32, #tpu.memory_space<vmem>> -> memref<1x128xi32, #tpu.memory_space<vmem>>
      %dma_start3A_499 = tpu.memref_squeeze %dma_start3A_498 : memref<1x128xi32, #tpu.memory_space<vmem>> -> memref<128xi32, #tpu.memory_space<vmem>>
      %dma_start3A_500 = arith.constant 0 : i32
      %dma_start3A_501 = arith.constant 0 : i32
      %dma_start3A_502 = tpu.memref_slice %arg2[%dma_start3A_500, %dma_start3A_501] : memref<2000000x64xf32, #tpu.memory_space<hbm>> -> memref<2000000x64xf32, #tpu.memory_space<hbm>>
      tpu.enqueue_indirect_dma source(%dma_start3A_502 : memref<2000000x64xf32, #tpu.memory_space<hbm>>) target(%dma_start3A_496 : memref<128x64xf32, #tpu.memory_space<vmem>>) offsets(%dma_start3A_499 : memref<128xi32, #tpu.memory_space<vmem>>) semaphore(%arg9 : memref<!tpu.dma_semaphore, #tpu.memory_space<semaphore_mem>>)
      %dma_wait3A_503 = arith.constant 768 : i32
      %dma_wait3A_504 = arith.constant 0 : i32
      %dma_wait3A_505 = tpu.memref_slice %arg6[%dma_wait3A_503, %dma_wait3A_504] : memref<1024x64xf32, #tpu.memory_space<vmem>> -> memref<128x64xf32, #tpu.memory_space<vmem>>
      %dma_wait3A_506 = arith.constant 0 : i32
      %dma_wait3A_507 = arith.constant 0 : i32
      %dma_wait3A_508 = tpu.memref_slice %arg2[%dma_wait3A_506, %dma_wait3A_507] : memref<2000000x64xf32, #tpu.memory_space<hbm>> -> memref<128x64xf32, #tpu.memory_space<hbm>>
      %dma_wait3A_509 = arith.constant 768 : i32
      %dma_wait3A_510 = arith.constant 0 : i32
      %dma_wait3A_511 = tpu.memref_slice %arg6[%dma_wait3A_509, %dma_wait3A_510] : memref<1024x64xf32, #tpu.memory_space<vmem>> -> memref<128x64xf32, #tpu.memory_space<vmem>>
      %dma_wait3A_512 = arith.constant 0 : i32
      %dma_wait3A_513 = arith.constant 0 : i32
      %dma_wait3A_514 = tpu.memref_slice %arg2[%dma_wait3A_512, %dma_wait3A_513] : memref<2000000x64xf32, #tpu.memory_space<hbm>> -> memref<128x64xf32, #tpu.memory_space<hbm>>
      tpu.wait_dma2 semaphore(%arg13 : memref<!tpu.dma_semaphore, #tpu.memory_space<semaphore_mem>>) src(%dma_wait3A_514 : memref<128x64xf32, #tpu.memory_space<hbm>>) dst(%dma_wait3A_511 : memref<128x64xf32, #tpu.memory_space<vmem>>)
      %sub3A_515 = arith.constant 4 : i32
      %sub3A_516 = arith.subi %add3A_481, %sub3A_515 : i32
      %mul3A_517 = arith.constant 128 : i32
      %mul3A_518 = arith.muli %sub3A_516, %mul3A_517 : i32
      %add3A_519 = arith.addi %mul3A_4, %mul3A_518 : i32
      %dma_start3A_520 = arith.constant 768 : i32
      %dma_start3A_521 = arith.constant 0 : i32
      %dma_start3A_522 = tpu.memref_slice %arg6[%dma_start3A_520, %dma_start3A_521] : memref<1024x64xf32, #tpu.memory_space<vmem>> -> memref<128x64xf32, #tpu.memory_space<vmem>>
      %dma_start3A_523 = arith.constant 0 : i32
      %dma_start3A_524 = tpu.memref_slice %arg4[%add3A_519, %dma_start3A_523] : memref<819200x128xf32, #tpu.memory_space<hbm>> -> memref<128x64xf32, #tpu.memory_space<hbm>>
      %dma_start3A_525 = arith.constant 0 : i32
      %dma_start3A_526 = tpu.memref_slice %arg4[%add3A_519, %dma_start3A_525] : memref<819200x128xf32, #tpu.memory_space<hbm>> -> memref<128x64xf32, #tpu.memory_space<hbm>>
      %dma_start3A_527 = arith.constant 768 : i32
      %dma_start3A_528 = arith.constant 0 : i32
      %dma_start3A_529 = tpu.memref_slice %arg6[%dma_start3A_527, %dma_start3A_528] : memref<1024x64xf32, #tpu.memory_space<vmem>> -> memref<128x64xf32, #tpu.memory_space<vmem>>
      tpu.enqueue_dma source(%dma_start3A_529 : memref<128x64xf32, #tpu.memory_space<vmem>>) target(%dma_start3A_526 : memref<128x64xf32, #tpu.memory_space<hbm>>) target_semaphore(%arg21 : memref<!tpu.dma_semaphore, #tpu.memory_space<semaphore_mem>>)
      %add3A_530 = arith.constant 3 : i32
      %add3A_531 = arith.addi %add3A_380, %add3A_530 : i32
      %dma_wait3A_532 = arith.constant 384 : i32
      %dma_wait3A_533 = arith.constant 0 : i32
      %dma_wait3A_534 = tpu.memref_slice %arg6[%dma_wait3A_532, %dma_wait3A_533] : memref<1024x64xf32, #tpu.memory_space<vmem>> -> memref<128x64xf32, #tpu.memory_space<vmem>>
      %dma_wait3A_535 = arith.constant 0 : i32
      %dma_wait3A_536 = arith.constant 0 : i32
      %dma_wait3A_537 = tpu.memref_slice %arg4[%dma_wait3A_535, %dma_wait3A_536] : memref<819200x128xf32, #tpu.memory_space<hbm>> -> memref<128x64xf32, #tpu.memory_space<hbm>>
      %dma_wait3A_538 = arith.constant 0 : i32
      %dma_wait3A_539 = arith.constant 0 : i32
      %dma_wait3A_540 = tpu.memref_slice %arg4[%dma_wait3A_538, %dma_wait3A_539] : memref<819200x128xf32, #tpu.memory_space<hbm>> -> memref<128x64xf32, #tpu.memory_space<hbm>>
      %dma_wait3A_541 = arith.constant 384 : i32
      %dma_wait3A_542 = arith.constant 0 : i32
      %dma_wait3A_543 = tpu.memref_slice %arg6[%dma_wait3A_541, %dma_wait3A_542] : memref<1024x64xf32, #tpu.memory_space<vmem>> -> memref<128x64xf32, #tpu.memory_space<vmem>>
      tpu.wait_dma2 semaphore(%arg18 : memref<!tpu.dma_semaphore, #tpu.memory_space<semaphore_mem>>) src(%dma_wait3A_543 : memref<128x64xf32, #tpu.memory_space<vmem>>) dst(%dma_wait3A_540 : memref<128x64xf32, #tpu.memory_space<hbm>>)
      %dma_start3A_544 = arith.constant 384 : i32
      %dma_start3A_545 = arith.constant 0 : i32
      %dma_start3A_546 = tpu.memref_slice %arg6[%dma_start3A_544, %dma_start3A_545] : memref<1024x64xf32, #tpu.memory_space<vmem>> -> memref<128x64xf32, #tpu.memory_space<vmem>>
      %dma_start3A_547 = arith.constant 0 : i32
      %dma_start3A_548 = tpu.memref_slice %arg5[%add3A_531, %dma_start3A_547] : memref<200x128xi32, #tpu.memory_space<vmem>> -> memref<1x128xi32, #tpu.memory_space<vmem>>
      %dma_start3A_549 = tpu.memref_squeeze %dma_start3A_548 : memref<1x128xi32, #tpu.memory_space<vmem>> -> memref<128xi32, #tpu.memory_space<vmem>>
      %dma_start3A_550 = arith.constant 0 : i32
      %dma_start3A_551 = arith.constant 0 : i32
      %dma_start3A_552 = tpu.memref_slice %arg2[%dma_start3A_550, %dma_start3A_551] : memref<2000000x64xf32, #tpu.memory_space<hbm>> -> memref<2000000x64xf32, #tpu.memory_space<hbm>>
      tpu.enqueue_indirect_dma source(%dma_start3A_552 : memref<2000000x64xf32, #tpu.memory_space<hbm>>) target(%dma_start3A_546 : memref<128x64xf32, #tpu.memory_space<vmem>>) offsets(%dma_start3A_549 : memref<128xi32, #tpu.memory_space<vmem>>) semaphore(%arg10 : memref<!tpu.dma_semaphore, #tpu.memory_space<semaphore_mem>>)
      %dma_wait3A_553 = arith.constant 896 : i32
      %dma_wait3A_554 = arith.constant 0 : i32
      %dma_wait3A_555 = tpu.memref_slice %arg6[%dma_wait3A_553, %dma_wait3A_554] : memref<1024x64xf32, #tpu.memory_space<vmem>> -> memref<128x64xf32, #tpu.memory_space<vmem>>
      %dma_wait3A_556 = arith.constant 0 : i32
      %dma_wait3A_557 = arith.constant 0 : i32
      %dma_wait3A_558 = tpu.memref_slice %arg2[%dma_wait3A_556, %dma_wait3A_557] : memref<2000000x64xf32, #tpu.memory_space<hbm>> -> memref<128x64xf32, #tpu.memory_space<hbm>>
      %dma_wait3A_559 = arith.constant 896 : i32
      %dma_wait3A_560 = arith.constant 0 : i32
      %dma_wait3A_561 = tpu.memref_slice %arg6[%dma_wait3A_559, %dma_wait3A_560] : memref<1024x64xf32, #tpu.memory_space<vmem>> -> memref<128x64xf32, #tpu.memory_space<vmem>>
      %dma_wait3A_562 = arith.constant 0 : i32
      %dma_wait3A_563 = arith.constant 0 : i32
      %dma_wait3A_564 = tpu.memref_slice %arg2[%dma_wait3A_562, %dma_wait3A_563] : memref<2000000x64xf32, #tpu.memory_space<hbm>> -> memref<128x64xf32, #tpu.memory_space<hbm>>
      tpu.wait_dma2 semaphore(%arg14 : memref<!tpu.dma_semaphore, #tpu.memory_space<semaphore_mem>>) src(%dma_wait3A_564 : memref<128x64xf32, #tpu.memory_space<hbm>>) dst(%dma_wait3A_561 : memref<128x64xf32, #tpu.memory_space<vmem>>)
      %sub3A_565 = arith.constant 4 : i32
      %sub3A_566 = arith.subi %add3A_531, %sub3A_565 : i32
      %mul3A_567 = arith.constant 128 : i32
      %mul3A_568 = arith.muli %sub3A_566, %mul3A_567 : i32
      %add3A_569 = arith.addi %mul3A_4, %mul3A_568 : i32
      %dma_start3A_570 = arith.constant 896 : i32
      %dma_start3A_571 = arith.constant 0 : i32
      %dma_start3A_572 = tpu.memref_slice %arg6[%dma_start3A_570, %dma_start3A_571] : memref<1024x64xf32, #tpu.memory_space<vmem>> -> memref<128x64xf32, #tpu.memory_space<vmem>>
      %dma_start3A_573 = arith.constant 0 : i32
      %dma_start3A_574 = tpu.memref_slice %arg4[%add3A_569, %dma_start3A_573] : memref<819200x128xf32, #tpu.memory_space<hbm>> -> memref<128x64xf32, #tpu.memory_space<hbm>>
      %dma_start3A_575 = arith.constant 0 : i32
      %dma_start3A_576 = tpu.memref_slice %arg4[%add3A_569, %dma_start3A_575] : memref<819200x128xf32, #tpu.memory_space<hbm>> -> memref<128x64xf32, #tpu.memory_space<hbm>>
      %dma_start3A_577 = arith.constant 896 : i32
      %dma_start3A_578 = arith.constant 0 : i32
      %dma_start3A_579 = tpu.memref_slice %arg6[%dma_start3A_577, %dma_start3A_578] : memref<1024x64xf32, #tpu.memory_space<vmem>> -> memref<128x64xf32, #tpu.memory_space<vmem>>
      tpu.enqueue_dma source(%dma_start3A_579 : memref<128x64xf32, #tpu.memory_space<vmem>>) target(%dma_start3A_576 : memref<128x64xf32, #tpu.memory_space<hbm>>) target_semaphore(%arg22 : memref<!tpu.dma_semaphore, #tpu.memory_space<semaphore_mem>>)
      %add3A_580 = arith.constant 4 : i32
      %add3A_581 = arith.addi %add3A_380, %add3A_580 : i32
      %dma_wait3A_582 = arith.constant 512 : i32
      %dma_wait3A_583 = arith.constant 0 : i32
      %dma_wait3A_584 = tpu.memref_slice %arg6[%dma_wait3A_582, %dma_wait3A_583] : memref<1024x64xf32, #tpu.memory_space<vmem>> -> memref<128x64xf32, #tpu.memory_space<vmem>>
      %dma_wait3A_585 = arith.constant 0 : i32
      %dma_wait3A_586 = arith.constant 0 : i32
      %dma_wait3A_587 = tpu.memref_slice %arg4[%dma_wait3A_585, %dma_wait3A_586] : memref<819200x128xf32, #tpu.memory_space<hbm>> -> memref<128x64xf32, #tpu.memory_space<hbm>>
      %dma_wait3A_588 = arith.constant 0 : i32
      %dma_wait3A_589 = arith.constant 0 : i32
      %dma_wait3A_590 = tpu.memref_slice %arg4[%dma_wait3A_588, %dma_wait3A_589] : memref<819200x128xf32, #tpu.memory_space<hbm>> -> memref<128x64xf32, #tpu.memory_space<hbm>>
      %dma_wait3A_591 = arith.constant 512 : i32
      %dma_wait3A_592 = arith.constant 0 : i32
      %dma_wait3A_593 = tpu.memref_slice %arg6[%dma_wait3A_591, %dma_wait3A_592] : memref<1024x64xf32, #tpu.memory_space<vmem>> -> memref<128x64xf32, #tpu.memory_space<vmem>>
      tpu.wait_dma2 semaphore(%arg19 : memref<!tpu.dma_semaphore, #tpu.memory_space<semaphore_mem>>) src(%dma_wait3A_593 : memref<128x64xf32, #tpu.memory_space<vmem>>) dst(%dma_wait3A_590 : memref<128x64xf32, #tpu.memory_space<hbm>>)
      %dma_start3A_594 = arith.constant 512 : i32
      %dma_start3A_595 = arith.constant 0 : i32
      %dma_start3A_596 = tpu.memref_slice %arg6[%dma_start3A_594, %dma_start3A_595] : memref<1024x64xf32, #tpu.memory_space<vmem>> -> memref<128x64xf32, #tpu.memory_space<vmem>>
      %dma_start3A_597 = arith.constant 0 : i32
      %dma_start3A_598 = tpu.memref_slice %arg5[%add3A_581, %dma_start3A_597] : memref<200x128xi32, #tpu.memory_space<vmem>> -> memref<1x128xi32, #tpu.memory_space<vmem>>
      %dma_start3A_599 = tpu.memref_squeeze %dma_start3A_598 : memref<1x128xi32, #tpu.memory_space<vmem>> -> memref<128xi32, #tpu.memory_space<vmem>>
      %dma_start3A_600 = arith.constant 0 : i32
      %dma_start3A_601 = arith.constant 0 : i32
      %dma_start3A_602 = tpu.memref_slice %arg2[%dma_start3A_600, %dma_start3A_601] : memref<2000000x64xf32, #tpu.memory_space<hbm>> -> memref<2000000x64xf32, #tpu.memory_space<hbm>>
      tpu.enqueue_indirect_dma source(%dma_start3A_602 : memref<2000000x64xf32, #tpu.memory_space<hbm>>) target(%dma_start3A_596 : memref<128x64xf32, #tpu.memory_space<vmem>>) offsets(%dma_start3A_599 : memref<128xi32, #tpu.memory_space<vmem>>) semaphore(%arg11 : memref<!tpu.dma_semaphore, #tpu.memory_space<semaphore_mem>>)
      %dma_wait3A_603 = arith.constant 0 : i32
      %dma_wait3A_604 = arith.constant 0 : i32
      %dma_wait3A_605 = tpu.memref_slice %arg6[%dma_wait3A_603, %dma_wait3A_604] : memref<1024x64xf32, #tpu.memory_space<vmem>> -> memref<128x64xf32, #tpu.memory_space<vmem>>
      %dma_wait3A_606 = arith.constant 0 : i32
      %dma_wait3A_607 = arith.constant 0 : i32
      %dma_wait3A_608 = tpu.memref_slice %arg2[%dma_wait3A_606, %dma_wait3A_607] : memref<2000000x64xf32, #tpu.memory_space<hbm>> -> memref<128x64xf32, #tpu.memory_space<hbm>>
      %dma_wait3A_609 = arith.constant 0 : i32
      %dma_wait3A_610 = arith.constant 0 : i32
      %dma_wait3A_611 = tpu.memref_slice %arg6[%dma_wait3A_609, %dma_wait3A_610] : memref<1024x64xf32, #tpu.memory_space<vmem>> -> memref<128x64xf32, #tpu.memory_space<vmem>>
      %dma_wait3A_612 = arith.constant 0 : i32
      %dma_wait3A_613 = arith.constant 0 : i32
      %dma_wait3A_614 = tpu.memref_slice %arg2[%dma_wait3A_612, %dma_wait3A_613] : memref<2000000x64xf32, #tpu.memory_space<hbm>> -> memref<128x64xf32, #tpu.memory_space<hbm>>
      tpu.wait_dma2 semaphore(%arg7 : memref<!tpu.dma_semaphore, #tpu.memory_space<semaphore_mem>>) src(%dma_wait3A_614 : memref<128x64xf32, #tpu.memory_space<hbm>>) dst(%dma_wait3A_611 : memref<128x64xf32, #tpu.memory_space<vmem>>)
      %sub3A_615 = arith.constant 4 : i32
      %sub3A_616 = arith.subi %add3A_581, %sub3A_615 : i32
      %mul3A_617 = arith.constant 128 : i32
      %mul3A_618 = arith.muli %sub3A_616, %mul3A_617 : i32
      %add3A_619 = arith.addi %mul3A_4, %mul3A_618 : i32
      %dma_start3A_620 = arith.constant 0 : i32
      %dma_start3A_621 = arith.constant 0 : i32
      %dma_start3A_622 = tpu.memref_slice %arg6[%dma_start3A_620, %dma_start3A_621] : memref<1024x64xf32, #tpu.memory_space<vmem>> -> memref<128x64xf32, #tpu.memory_space<vmem>>
      %dma_start3A_623 = arith.constant 0 : i32
      %dma_start3A_624 = tpu.memref_slice %arg4[%add3A_619, %dma_start3A_623] : memref<819200x128xf32, #tpu.memory_space<hbm>> -> memref<128x64xf32, #tpu.memory_space<hbm>>
      %dma_start3A_625 = arith.constant 0 : i32
      %dma_start3A_626 = tpu.memref_slice %arg4[%add3A_619, %dma_start3A_625] : memref<819200x128xf32, #tpu.memory_space<hbm>> -> memref<128x64xf32, #tpu.memory_space<hbm>>
      %dma_start3A_627 = arith.constant 0 : i32
      %dma_start3A_628 = arith.constant 0 : i32
      %dma_start3A_629 = tpu.memref_slice %arg6[%dma_start3A_627, %dma_start3A_628] : memref<1024x64xf32, #tpu.memory_space<vmem>> -> memref<128x64xf32, #tpu.memory_space<vmem>>
      tpu.enqueue_dma source(%dma_start3A_629 : memref<128x64xf32, #tpu.memory_space<vmem>>) target(%dma_start3A_626 : memref<128x64xf32, #tpu.memory_space<hbm>>) target_semaphore(%arg15 : memref<!tpu.dma_semaphore, #tpu.memory_space<semaphore_mem>>)
      %add3A_630 = arith.constant 5 : i32
      %add3A_631 = arith.addi %add3A_380, %add3A_630 : i32
      %dma_wait3A_632 = arith.constant 640 : i32
      %dma_wait3A_633 = arith.constant 0 : i32
      %dma_wait3A_634 = tpu.memref_slice %arg6[%dma_wait3A_632, %dma_wait3A_633] : memref<1024x64xf32, #tpu.memory_space<vmem>> -> memref<128x64xf32, #tpu.memory_space<vmem>>
      %dma_wait3A_635 = arith.constant 0 : i32
      %dma_wait3A_636 = arith.constant 0 : i32
      %dma_wait3A_637 = tpu.memref_slice %arg4[%dma_wait3A_635, %dma_wait3A_636] : memref<819200x128xf32, #tpu.memory_space<hbm>> -> memref<128x64xf32, #tpu.memory_space<hbm>>
      %dma_wait3A_638 = arith.constant 0 : i32
      %dma_wait3A_639 = arith.constant 0 : i32
      %dma_wait3A_640 = tpu.memref_slice %arg4[%dma_wait3A_638, %dma_wait3A_639] : memref<819200x128xf32, #tpu.memory_space<hbm>> -> memref<128x64xf32, #tpu.memory_space<hbm>>
      %dma_wait3A_641 = arith.constant 640 : i32
      %dma_wait3A_642 = arith.constant 0 : i32
      %dma_wait3A_643 = tpu.memref_slice %arg6[%dma_wait3A_641, %dma_wait3A_642] : memref<1024x64xf32, #tpu.memory_space<vmem>> -> memref<128x64xf32, #tpu.memory_space<vmem>>
      tpu.wait_dma2 semaphore(%arg20 : memref<!tpu.dma_semaphore, #tpu.memory_space<semaphore_mem>>) src(%dma_wait3A_643 : memref<128x64xf32, #tpu.memory_space<vmem>>) dst(%dma_wait3A_640 : memref<128x64xf32, #tpu.memory_space<hbm>>)
      %dma_start3A_644 = arith.constant 640 : i32
      %dma_start3A_645 = arith.constant 0 : i32
      %dma_start3A_646 = tpu.memref_slice %arg6[%dma_start3A_644, %dma_start3A_645] : memref<1024x64xf32, #tpu.memory_space<vmem>> -> memref<128x64xf32, #tpu.memory_space<vmem>>
      %dma_start3A_647 = arith.constant 0 : i32
      %dma_start3A_648 = tpu.memref_slice %arg5[%add3A_631, %dma_start3A_647] : memref<200x128xi32, #tpu.memory_space<vmem>> -> memref<1x128xi32, #tpu.memory_space<vmem>>
      %dma_start3A_649 = tpu.memref_squeeze %dma_start3A_648 : memref<1x128xi32, #tpu.memory_space<vmem>> -> memref<128xi32, #tpu.memory_space<vmem>>
      %dma_start3A_650 = arith.constant 0 : i32
      %dma_start3A_651 = arith.constant 0 : i32
      %dma_start3A_652 = tpu.memref_slice %arg2[%dma_start3A_650, %dma_start3A_651] : memref<2000000x64xf32, #tpu.memory_space<hbm>> -> memref<2000000x64xf32, #tpu.memory_space<hbm>>
      tpu.enqueue_indirect_dma source(%dma_start3A_652 : memref<2000000x64xf32, #tpu.memory_space<hbm>>) target(%dma_start3A_646 : memref<128x64xf32, #tpu.memory_space<vmem>>) offsets(%dma_start3A_649 : memref<128xi32, #tpu.memory_space<vmem>>) semaphore(%arg12 : memref<!tpu.dma_semaphore, #tpu.memory_space<semaphore_mem>>)
      %dma_wait3A_653 = arith.constant 128 : i32
      %dma_wait3A_654 = arith.constant 0 : i32
      %dma_wait3A_655 = tpu.memref_slice %arg6[%dma_wait3A_653, %dma_wait3A_654] : memref<1024x64xf32, #tpu.memory_space<vmem>> -> memref<128x64xf32, #tpu.memory_space<vmem>>
      %dma_wait3A_656 = arith.constant 0 : i32
      %dma_wait3A_657 = arith.constant 0 : i32
      %dma_wait3A_658 = tpu.memref_slice %arg2[%dma_wait3A_656, %dma_wait3A_657] : memref<2000000x64xf32, #tpu.memory_space<hbm>> -> memref<128x64xf32, #tpu.memory_space<hbm>>
      %dma_wait3A_659 = arith.constant 128 : i32
      %dma_wait3A_660 = arith.constant 0 : i32
      %dma_wait3A_661 = tpu.memref_slice %arg6[%dma_wait3A_659, %dma_wait3A_660] : memref<1024x64xf32, #tpu.memory_space<vmem>> -> memref<128x64xf32, #tpu.memory_space<vmem>>
      %dma_wait3A_662 = arith.constant 0 : i32
      %dma_wait3A_663 = arith.constant 0 : i32
      %dma_wait3A_664 = tpu.memref_slice %arg2[%dma_wait3A_662, %dma_wait3A_663] : memref<2000000x64xf32, #tpu.memory_space<hbm>> -> memref<128x64xf32, #tpu.memory_space<hbm>>
      tpu.wait_dma2 semaphore(%arg8 : memref<!tpu.dma_semaphore, #tpu.memory_space<semaphore_mem>>) src(%dma_wait3A_664 : memref<128x64xf32, #tpu.memory_space<hbm>>) dst(%dma_wait3A_661 : memref<128x64xf32, #tpu.memory_space<vmem>>)
      %sub3A_665 = arith.constant 4 : i32
      %sub3A_666 = arith.subi %add3A_631, %sub3A_665 : i32
      %mul3A_667 = arith.constant 128 : i32
      %mul3A_668 = arith.muli %sub3A_666, %mul3A_667 : i32
      %add3A_669 = arith.addi %mul3A_4, %mul3A_668 : i32
      %dma_start3A_670 = arith.constant 128 : i32
      %dma_start3A_671 = arith.constant 0 : i32
      %dma_start3A_672 = tpu.memref_slice %arg6[%dma_start3A_670, %dma_start3A_671] : memref<1024x64xf32, #tpu.memory_space<vmem>> -> memref<128x64xf32, #tpu.memory_space<vmem>>
      %dma_start3A_673 = arith.constant 0 : i32
      %dma_start3A_674 = tpu.memref_slice %arg4[%add3A_669, %dma_start3A_673] : memref<819200x128xf32, #tpu.memory_space<hbm>> -> memref<128x64xf32, #tpu.memory_space<hbm>>
      %dma_start3A_675 = arith.constant 0 : i32
      %dma_start3A_676 = tpu.memref_slice %arg4[%add3A_669, %dma_start3A_675] : memref<819200x128xf32, #tpu.memory_space<hbm>> -> memref<128x64xf32, #tpu.memory_space<hbm>>
      %dma_start3A_677 = arith.constant 128 : i32
      %dma_start3A_678 = arith.constant 0 : i32
      %dma_start3A_679 = tpu.memref_slice %arg6[%dma_start3A_677, %dma_start3A_678] : memref<1024x64xf32, #tpu.memory_space<vmem>> -> memref<128x64xf32, #tpu.memory_space<vmem>>
      tpu.enqueue_dma source(%dma_start3A_679 : memref<128x64xf32, #tpu.memory_space<vmem>>) target(%dma_start3A_676 : memref<128x64xf32, #tpu.memory_space<hbm>>) target_semaphore(%arg16 : memref<!tpu.dma_semaphore, #tpu.memory_space<semaphore_mem>>)
      %add3A_680 = arith.constant 6 : i32
      %add3A_681 = arith.addi %add3A_380, %add3A_680 : i32
      %dma_wait3A_682 = arith.constant 768 : i32
      %dma_wait3A_683 = arith.constant 0 : i32
      %dma_wait3A_684 = tpu.memref_slice %arg6[%dma_wait3A_682, %dma_wait3A_683] : memref<1024x64xf32, #tpu.memory_space<vmem>> -> memref<128x64xf32, #tpu.memory_space<vmem>>
      %dma_wait3A_685 = arith.constant 0 : i32
      %dma_wait3A_686 = arith.constant 0 : i32
      %dma_wait3A_687 = tpu.memref_slice %arg4[%dma_wait3A_685, %dma_wait3A_686] : memref<819200x128xf32, #tpu.memory_space<hbm>> -> memref<128x64xf32, #tpu.memory_space<hbm>>
      %dma_wait3A_688 = arith.constant 0 : i32
      %dma_wait3A_689 = arith.constant 0 : i32
      %dma_wait3A_690 = tpu.memref_slice %arg4[%dma_wait3A_688, %dma_wait3A_689] : memref<819200x128xf32, #tpu.memory_space<hbm>> -> memref<128x64xf32, #tpu.memory_space<hbm>>
      %dma_wait3A_691 = arith.constant 768 : i32
      %dma_wait3A_692 = arith.constant 0 : i32
      %dma_wait3A_693 = tpu.memref_slice %arg6[%dma_wait3A_691, %dma_wait3A_692] : memref<1024x64xf32, #tpu.memory_space<vmem>> -> memref<128x64xf32, #tpu.memory_space<vmem>>
      tpu.wait_dma2 semaphore(%arg21 : memref<!tpu.dma_semaphore, #tpu.memory_space<semaphore_mem>>) src(%dma_wait3A_693 : memref<128x64xf32, #tpu.memory_space<vmem>>) dst(%dma_wait3A_690 : memref<128x64xf32, #tpu.memory_space<hbm>>)
      %dma_start3A_694 = arith.constant 768 : i32
      %dma_start3A_695 = arith.constant 0 : i32
      %dma_start3A_696 = tpu.memref_slice %arg6[%dma_start3A_694, %dma_start3A_695] : memref<1024x64xf32, #tpu.memory_space<vmem>> -> memref<128x64xf32, #tpu.memory_space<vmem>>
      %dma_start3A_697 = arith.constant 0 : i32
      %dma_start3A_698 = tpu.memref_slice %arg5[%add3A_681, %dma_start3A_697] : memref<200x128xi32, #tpu.memory_space<vmem>> -> memref<1x128xi32, #tpu.memory_space<vmem>>
      %dma_start3A_699 = tpu.memref_squeeze %dma_start3A_698 : memref<1x128xi32, #tpu.memory_space<vmem>> -> memref<128xi32, #tpu.memory_space<vmem>>
      %dma_start3A_700 = arith.constant 0 : i32
      %dma_start3A_701 = arith.constant 0 : i32
      %dma_start3A_702 = tpu.memref_slice %arg2[%dma_start3A_700, %dma_start3A_701] : memref<2000000x64xf32, #tpu.memory_space<hbm>> -> memref<2000000x64xf32, #tpu.memory_space<hbm>>
      tpu.enqueue_indirect_dma source(%dma_start3A_702 : memref<2000000x64xf32, #tpu.memory_space<hbm>>) target(%dma_start3A_696 : memref<128x64xf32, #tpu.memory_space<vmem>>) offsets(%dma_start3A_699 : memref<128xi32, #tpu.memory_space<vmem>>) semaphore(%arg13 : memref<!tpu.dma_semaphore, #tpu.memory_space<semaphore_mem>>)
      %dma_wait3A_703 = arith.constant 256 : i32
      %dma_wait3A_704 = arith.constant 0 : i32
      %dma_wait3A_705 = tpu.memref_slice %arg6[%dma_wait3A_703, %dma_wait3A_704] : memref<1024x64xf32, #tpu.memory_space<vmem>> -> memref<128x64xf32, #tpu.memory_space<vmem>>
      %dma_wait3A_706 = arith.constant 0 : i32
      %dma_wait3A_707 = arith.constant 0 : i32
      %dma_wait3A_708 = tpu.memref_slice %arg2[%dma_wait3A_706, %dma_wait3A_707] : memref<2000000x64xf32, #tpu.memory_space<hbm>> -> memref<128x64xf32, #tpu.memory_space<hbm>>
      %dma_wait3A_709 = arith.constant 256 : i32
      %dma_wait3A_710 = arith.constant 0 : i32
      %dma_wait3A_711 = tpu.memref_slice %arg6[%dma_wait3A_709, %dma_wait3A_710] : memref<1024x64xf32, #tpu.memory_space<vmem>> -> memref<128x64xf32, #tpu.memory_space<vmem>>
      %dma_wait3A_712 = arith.constant 0 : i32
      %dma_wait3A_713 = arith.constant 0 : i32
      %dma_wait3A_714 = tpu.memref_slice %arg2[%dma_wait3A_712, %dma_wait3A_713] : memref<2000000x64xf32, #tpu.memory_space<hbm>> -> memref<128x64xf32, #tpu.memory_space<hbm>>
      tpu.wait_dma2 semaphore(%arg9 : memref<!tpu.dma_semaphore, #tpu.memory_space<semaphore_mem>>) src(%dma_wait3A_714 : memref<128x64xf32, #tpu.memory_space<hbm>>) dst(%dma_wait3A_711 : memref<128x64xf32, #tpu.memory_space<vmem>>)
      %sub3A_715 = arith.constant 4 : i32
      %sub3A_716 = arith.subi %add3A_681, %sub3A_715 : i32
      %mul3A_717 = arith.constant 128 : i32
      %mul3A_718 = arith.muli %sub3A_716, %mul3A_717 : i32
      %add3A_719 = arith.addi %mul3A_4, %mul3A_718 : i32
      %dma_start3A_720 = arith.constant 256 : i32
      %dma_start3A_721 = arith.constant 0 : i32
      %dma_start3A_722 = tpu.memref_slice %arg6[%dma_start3A_720, %dma_start3A_721] : memref<1024x64xf32, #tpu.memory_space<vmem>> -> memref<128x64xf32, #tpu.memory_space<vmem>>
      %dma_start3A_723 = arith.constant 0 : i32
      %dma_start3A_724 = tpu.memref_slice %arg4[%add3A_719, %dma_start3A_723] : memref<819200x128xf32, #tpu.memory_space<hbm>> -> memref<128x64xf32, #tpu.memory_space<hbm>>
      %dma_start3A_725 = arith.constant 0 : i32
      %dma_start3A_726 = tpu.memref_slice %arg4[%add3A_719, %dma_start3A_725] : memref<819200x128xf32, #tpu.memory_space<hbm>> -> memref<128x64xf32, #tpu.memory_space<hbm>>
      %dma_start3A_727 = arith.constant 256 : i32
      %dma_start3A_728 = arith.constant 0 : i32
      %dma_start3A_729 = tpu.memref_slice %arg6[%dma_start3A_727, %dma_start3A_728] : memref<1024x64xf32, #tpu.memory_space<vmem>> -> memref<128x64xf32, #tpu.memory_space<vmem>>
      tpu.enqueue_dma source(%dma_start3A_729 : memref<128x64xf32, #tpu.memory_space<vmem>>) target(%dma_start3A_726 : memref<128x64xf32, #tpu.memory_space<hbm>>) target_semaphore(%arg17 : memref<!tpu.dma_semaphore, #tpu.memory_space<semaphore_mem>>)
      %add3A_730 = arith.constant 7 : i32
      %add3A_731 = arith.addi %add3A_380, %add3A_730 : i32
      %dma_wait3A_732 = arith.constant 896 : i32
      %dma_wait3A_733 = arith.constant 0 : i32
      %dma_wait3A_734 = tpu.memref_slice %arg6[%dma_wait3A_732, %dma_wait3A_733] : memref<1024x64xf32, #tpu.memory_space<vmem>> -> memref<128x64xf32, #tpu.memory_space<vmem>>
      %dma_wait3A_735 = arith.constant 0 : i32
      %dma_wait3A_736 = arith.constant 0 : i32
      %dma_wait3A_737 = tpu.memref_slice %arg4[%dma_wait3A_735, %dma_wait3A_736] : memref<819200x128xf32, #tpu.memory_space<hbm>> -> memref<128x64xf32, #tpu.memory_space<hbm>>
      %dma_wait3A_738 = arith.constant 0 : i32
      %dma_wait3A_739 = arith.constant 0 : i32
      %dma_wait3A_740 = tpu.memref_slice %arg4[%dma_wait3A_738, %dma_wait3A_739] : memref<819200x128xf32, #tpu.memory_space<hbm>> -> memref<128x64xf32, #tpu.memory_space<hbm>>
      %dma_wait3A_741 = arith.constant 896 : i32
      %dma_wait3A_742 = arith.constant 0 : i32
      %dma_wait3A_743 = tpu.memref_slice %arg6[%dma_wait3A_741, %dma_wait3A_742] : memref<1024x64xf32, #tpu.memory_space<vmem>> -> memref<128x64xf32, #tpu.memory_space<vmem>>
      tpu.wait_dma2 semaphore(%arg22 : memref<!tpu.dma_semaphore, #tpu.memory_space<semaphore_mem>>) src(%dma_wait3A_743 : memref<128x64xf32, #tpu.memory_space<vmem>>) dst(%dma_wait3A_740 : memref<128x64xf32, #tpu.memory_space<hbm>>)
      %dma_start3A_744 = arith.constant 896 : i32
      %dma_start3A_745 = arith.constant 0 : i32
      %dma_start3A_746 = tpu.memref_slice %arg6[%dma_start3A_744, %dma_start3A_745] : memref<1024x64xf32, #tpu.memory_space<vmem>> -> memref<128x64xf32, #tpu.memory_space<vmem>>
      %dma_start3A_747 = arith.constant 0 : i32
      %dma_start3A_748 = tpu.memref_slice %arg5[%add3A_731, %dma_start3A_747] : memref<200x128xi32, #tpu.memory_space<vmem>> -> memref<1x128xi32, #tpu.memory_space<vmem>>
      %dma_start3A_749 = tpu.memref_squeeze %dma_start3A_748 : memref<1x128xi32, #tpu.memory_space<vmem>> -> memref<128xi32, #tpu.memory_space<vmem>>
      %dma_start3A_750 = arith.constant 0 : i32
      %dma_start3A_751 = arith.constant 0 : i32
      %dma_start3A_752 = tpu.memref_slice %arg2[%dma_start3A_750, %dma_start3A_751] : memref<2000000x64xf32, #tpu.memory_space<hbm>> -> memref<2000000x64xf32, #tpu.memory_space<hbm>>
      tpu.enqueue_indirect_dma source(%dma_start3A_752 : memref<2000000x64xf32, #tpu.memory_space<hbm>>) target(%dma_start3A_746 : memref<128x64xf32, #tpu.memory_space<vmem>>) offsets(%dma_start3A_749 : memref<128xi32, #tpu.memory_space<vmem>>) semaphore(%arg14 : memref<!tpu.dma_semaphore, #tpu.memory_space<semaphore_mem>>)
      %dma_wait3A_753 = arith.constant 384 : i32
      %dma_wait3A_754 = arith.constant 0 : i32
      %dma_wait3A_755 = tpu.memref_slice %arg6[%dma_wait3A_753, %dma_wait3A_754] : memref<1024x64xf32, #tpu.memory_space<vmem>> -> memref<128x64xf32, #tpu.memory_space<vmem>>
      %dma_wait3A_756 = arith.constant 0 : i32
      %dma_wait3A_757 = arith.constant 0 : i32
      %dma_wait3A_758 = tpu.memref_slice %arg2[%dma_wait3A_756, %dma_wait3A_757] : memref<2000000x64xf32, #tpu.memory_space<hbm>> -> memref<128x64xf32, #tpu.memory_space<hbm>>
      %dma_wait3A_759 = arith.constant 384 : i32
      %dma_wait3A_760 = arith.constant 0 : i32
      %dma_wait3A_761 = tpu.memref_slice %arg6[%dma_wait3A_759, %dma_wait3A_760] : memref<1024x64xf32, #tpu.memory_space<vmem>> -> memref<128x64xf32, #tpu.memory_space<vmem>>
      %dma_wait3A_762 = arith.constant 0 : i32
      %dma_wait3A_763 = arith.constant 0 : i32
      %dma_wait3A_764 = tpu.memref_slice %arg2[%dma_wait3A_762, %dma_wait3A_763] : memref<2000000x64xf32, #tpu.memory_space<hbm>> -> memref<128x64xf32, #tpu.memory_space<hbm>>
      tpu.wait_dma2 semaphore(%arg10 : memref<!tpu.dma_semaphore, #tpu.memory_space<semaphore_mem>>) src(%dma_wait3A_764 : memref<128x64xf32, #tpu.memory_space<hbm>>) dst(%dma_wait3A_761 : memref<128x64xf32, #tpu.memory_space<vmem>>)
      %sub3A_765 = arith.constant 4 : i32
      %sub3A_766 = arith.subi %add3A_731, %sub3A_765 : i32
      %mul3A_767 = arith.constant 128 : i32
      %mul3A_768 = arith.muli %sub3A_766, %mul3A_767 : i32
      %add3A_769 = arith.addi %mul3A_4, %mul3A_768 : i32
      %dma_start3A_770 = arith.constant 384 : i32
      %dma_start3A_771 = arith.constant 0 : i32
      %dma_start3A_772 = tpu.memref_slice %arg6[%dma_start3A_770, %dma_start3A_771] : memref<1024x64xf32, #tpu.memory_space<vmem>> -> memref<128x64xf32, #tpu.memory_space<vmem>>
      %dma_start3A_773 = arith.constant 0 : i32
      %dma_start3A_774 = tpu.memref_slice %arg4[%add3A_769, %dma_start3A_773] : memref<819200x128xf32, #tpu.memory_space<hbm>> -> memref<128x64xf32, #tpu.memory_space<hbm>>
      %dma_start3A_775 = arith.constant 0 : i32
      %dma_start3A_776 = tpu.memref_slice %arg4[%add3A_769, %dma_start3A_775] : memref<819200x128xf32, #tpu.memory_space<hbm>> -> memref<128x64xf32, #tpu.memory_space<hbm>>
      %dma_start3A_777 = arith.constant 384 : i32
      %dma_start3A_778 = arith.constant 0 : i32
      %dma_start3A_779 = tpu.memref_slice %arg6[%dma_start3A_777, %dma_start3A_778] : memref<1024x64xf32, #tpu.memory_space<vmem>> -> memref<128x64xf32, #tpu.memory_space<vmem>>
      tpu.enqueue_dma source(%dma_start3A_779 : memref<128x64xf32, #tpu.memory_space<vmem>>) target(%dma_start3A_776 : memref<128x64xf32, #tpu.memory_space<hbm>>) target_semaphore(%arg18 : memref<!tpu.dma_semaphore, #tpu.memory_space<semaphore_mem>>)
    }
    %scan3A_183 = arith.constant 24 : i32
    %dma_wait3A_184 = arith.constant 512 : i32
    %dma_wait3A_185 = arith.constant 0 : i32
    %dma_wait3A_186 = tpu.memref_slice %arg6[%dma_wait3A_184, %dma_wait3A_185] : memref<1024x64xf32, #tpu.memory_space<vmem>> -> memref<128x64xf32, #tpu.memory_space<vmem>>
    %dma_wait3A_187 = arith.constant 0 : i32
    %dma_wait3A_188 = arith.constant 0 : i32
    %dma_wait3A_189 = tpu.memref_slice %arg2[%dma_wait3A_187, %dma_wait3A_188] : memref<2000000x64xf32, #tpu.memory_space<hbm>> -> memref<128x64xf32, #tpu.memory_space<hbm>>
    %dma_wait3A_190 = arith.constant 512 : i32
    %dma_wait3A_191 = arith.constant 0 : i32
    %dma_wait3A_192 = tpu.memref_slice %arg6[%dma_wait3A_190, %dma_wait3A_191] : memref<1024x64xf32, #tpu.memory_space<vmem>> -> memref<128x64xf32, #tpu.memory_space<vmem>>
    %dma_wait3A_193 = arith.constant 0 : i32
    %dma_wait3A_194 = arith.constant 0 : i32
    %dma_wait3A_195 = tpu.memref_slice %arg2[%dma_wait3A_193, %dma_wait3A_194] : memref<2000000x64xf32, #tpu.memory_space<hbm>> -> memref<128x64xf32, #tpu.memory_space<hbm>>
    tpu.wait_dma2 semaphore(%arg11 : memref<!tpu.dma_semaphore, #tpu.memory_space<semaphore_mem>>) src(%dma_wait3A_195 : memref<128x64xf32, #tpu.memory_space<hbm>>) dst(%dma_wait3A_192 : memref<128x64xf32, #tpu.memory_space<vmem>>)
    %add3A_196 = arith.constant 25088 : i32
    %add3A_197 = arith.addi %mul3A_4, %add3A_196 : i32
    %dma_start3A_198 = arith.constant 512 : i32
    %dma_start3A_199 = arith.constant 0 : i32
    %dma_start3A_200 = tpu.memref_slice %arg6[%dma_start3A_198, %dma_start3A_199] : memref<1024x64xf32, #tpu.memory_space<vmem>> -> memref<128x64xf32, #tpu.memory_space<vmem>>
    %dma_start3A_201 = arith.constant 0 : i32
    %dma_start3A_202 = tpu.memref_slice %arg4[%add3A_197, %dma_start3A_201] : memref<819200x128xf32, #tpu.memory_space<hbm>> -> memref<128x64xf32, #tpu.memory_space<hbm>>
    %dma_start3A_203 = arith.constant 0 : i32
    %dma_start3A_204 = tpu.memref_slice %arg4[%add3A_197, %dma_start3A_203] : memref<819200x128xf32, #tpu.memory_space<hbm>> -> memref<128x64xf32, #tpu.memory_space<hbm>>
    %dma_start3A_205 = arith.constant 512 : i32
    %dma_start3A_206 = arith.constant 0 : i32
    %dma_start3A_207 = tpu.memref_slice %arg6[%dma_start3A_205, %dma_start3A_206] : memref<1024x64xf32, #tpu.memory_space<vmem>> -> memref<128x64xf32, #tpu.memory_space<vmem>>
    tpu.enqueue_dma source(%dma_start3A_207 : memref<128x64xf32, #tpu.memory_space<vmem>>) target(%dma_start3A_204 : memref<128x64xf32, #tpu.memory_space<hbm>>) target_semaphore(%arg19 : memref<!tpu.dma_semaphore, #tpu.memory_space<semaphore_mem>>)
    %dma_wait3A_208 = arith.constant 640 : i32
    %dma_wait3A_209 = arith.constant 0 : i32
    %dma_wait3A_210 = tpu.memref_slice %arg6[%dma_wait3A_208, %dma_wait3A_209] : memref<1024x64xf32, #tpu.memory_space<vmem>> -> memref<128x64xf32, #tpu.memory_space<vmem>>
    %dma_wait3A_211 = arith.constant 0 : i32
    %dma_wait3A_212 = arith.constant 0 : i32
    %dma_wait3A_213 = tpu.memref_slice %arg2[%dma_wait3A_211, %dma_wait3A_212] : memref<2000000x64xf32, #tpu.memory_space<hbm>> -> memref<128x64xf32, #tpu.memory_space<hbm>>
    %dma_wait3A_214 = arith.constant 640 : i32
    %dma_wait3A_215 = arith.constant 0 : i32
    %dma_wait3A_216 = tpu.memref_slice %arg6[%dma_wait3A_214, %dma_wait3A_215] : memref<1024x64xf32, #tpu.memory_space<vmem>> -> memref<128x64xf32, #tpu.memory_space<vmem>>
    %dma_wait3A_217 = arith.constant 0 : i32
    %dma_wait3A_218 = arith.constant 0 : i32
    %dma_wait3A_219 = tpu.memref_slice %arg2[%dma_wait3A_217, %dma_wait3A_218] : memref<2000000x64xf32, #tpu.memory_space<hbm>> -> memref<128x64xf32, #tpu.memory_space<hbm>>
    tpu.wait_dma2 semaphore(%arg12 : memref<!tpu.dma_semaphore, #tpu.memory_space<semaphore_mem>>) src(%dma_wait3A_219 : memref<128x64xf32, #tpu.memory_space<hbm>>) dst(%dma_wait3A_216 : memref<128x64xf32, #tpu.memory_space<vmem>>)
    %add3A_220 = arith.constant 25216 : i32
    %add3A_221 = arith.addi %mul3A_4, %add3A_220 : i32
    %dma_start3A_222 = arith.constant 640 : i32
    %dma_start3A_223 = arith.constant 0 : i32
    %dma_start3A_224 = tpu.memref_slice %arg6[%dma_start3A_222, %dma_start3A_223] : memref<1024x64xf32, #tpu.memory_space<vmem>> -> memref<128x64xf32, #tpu.memory_space<vmem>>
    %dma_start3A_225 = arith.constant 0 : i32
    %dma_start3A_226 = tpu.memref_slice %arg4[%add3A_221, %dma_start3A_225] : memref<819200x128xf32, #tpu.memory_space<hbm>> -> memref<128x64xf32, #tpu.memory_space<hbm>>
    %dma_start3A_227 = arith.constant 0 : i32
    %dma_start3A_228 = tpu.memref_slice %arg4[%add3A_221, %dma_start3A_227] : memref<819200x128xf32, #tpu.memory_space<hbm>> -> memref<128x64xf32, #tpu.memory_space<hbm>>
    %dma_start3A_229 = arith.constant 640 : i32
    %dma_start3A_230 = arith.constant 0 : i32
    %dma_start3A_231 = tpu.memref_slice %arg6[%dma_start3A_229, %dma_start3A_230] : memref<1024x64xf32, #tpu.memory_space<vmem>> -> memref<128x64xf32, #tpu.memory_space<vmem>>
    tpu.enqueue_dma source(%dma_start3A_231 : memref<128x64xf32, #tpu.memory_space<vmem>>) target(%dma_start3A_228 : memref<128x64xf32, #tpu.memory_space<hbm>>) target_semaphore(%arg20 : memref<!tpu.dma_semaphore, #tpu.memory_space<semaphore_mem>>)
    %dma_wait3A_232 = arith.constant 768 : i32
    %dma_wait3A_233 = arith.constant 0 : i32
    %dma_wait3A_234 = tpu.memref_slice %arg6[%dma_wait3A_232, %dma_wait3A_233] : memref<1024x64xf32, #tpu.memory_space<vmem>> -> memref<128x64xf32, #tpu.memory_space<vmem>>
    %dma_wait3A_235 = arith.constant 0 : i32
    %dma_wait3A_236 = arith.constant 0 : i32
    %dma_wait3A_237 = tpu.memref_slice %arg2[%dma_wait3A_235, %dma_wait3A_236] : memref<2000000x64xf32, #tpu.memory_space<hbm>> -> memref<128x64xf32, #tpu.memory_space<hbm>>
    %dma_wait3A_238 = arith.constant 768 : i32
    %dma_wait3A_239 = arith.constant 0 : i32
    %dma_wait3A_240 = tpu.memref_slice %arg6[%dma_wait3A_238, %dma_wait3A_239] : memref<1024x64xf32, #tpu.memory_space<vmem>> -> memref<128x64xf32, #tpu.memory_space<vmem>>
    %dma_wait3A_241 = arith.constant 0 : i32
    %dma_wait3A_242 = arith.constant 0 : i32
    %dma_wait3A_243 = tpu.memref_slice %arg2[%dma_wait3A_241, %dma_wait3A_242] : memref<2000000x64xf32, #tpu.memory_space<hbm>> -> memref<128x64xf32, #tpu.memory_space<hbm>>
    tpu.wait_dma2 semaphore(%arg13 : memref<!tpu.dma_semaphore, #tpu.memory_space<semaphore_mem>>) src(%dma_wait3A_243 : memref<128x64xf32, #tpu.memory_space<hbm>>) dst(%dma_wait3A_240 : memref<128x64xf32, #tpu.memory_space<vmem>>)
    %add3A_244 = arith.constant 25344 : i32
    %add3A_245 = arith.addi %mul3A_4, %add3A_244 : i32
    %dma_start3A_246 = arith.constant 768 : i32
    %dma_start3A_247 = arith.constant 0 : i32
    %dma_start3A_248 = tpu.memref_slice %arg6[%dma_start3A_246, %dma_start3A_247] : memref<1024x64xf32, #tpu.memory_space<vmem>> -> memref<128x64xf32, #tpu.memory_space<vmem>>
    %dma_start3A_249 = arith.constant 0 : i32
    %dma_start3A_250 = tpu.memref_slice %arg4[%add3A_245, %dma_start3A_249] : memref<819200x128xf32, #tpu.memory_space<hbm>> -> memref<128x64xf32, #tpu.memory_space<hbm>>
    %dma_start3A_251 = arith.constant 0 : i32
    %dma_start3A_252 = tpu.memref_slice %arg4[%add3A_245, %dma_start3A_251] : memref<819200x128xf32, #tpu.memory_space<hbm>> -> memref<128x64xf32, #tpu.memory_space<hbm>>
    %dma_start3A_253 = arith.constant 768 : i32
    %dma_start3A_254 = arith.constant 0 : i32
    %dma_start3A_255 = tpu.memref_slice %arg6[%dma_start3A_253, %dma_start3A_254] : memref<1024x64xf32, #tpu.memory_space<vmem>> -> memref<128x64xf32, #tpu.memory_space<vmem>>
    tpu.enqueue_dma source(%dma_start3A_255 : memref<128x64xf32, #tpu.memory_space<vmem>>) target(%dma_start3A_252 : memref<128x64xf32, #tpu.memory_space<hbm>>) target_semaphore(%arg21 : memref<!tpu.dma_semaphore, #tpu.memory_space<semaphore_mem>>)
    %dma_wait3A_256 = arith.constant 896 : i32
    %dma_wait3A_257 = arith.constant 0 : i32
    %dma_wait3A_258 = tpu.memref_slice %arg6[%dma_wait3A_256, %dma_wait3A_257] : memref<1024x64xf32, #tpu.memory_space<vmem>> -> memref<128x64xf32, #tpu.memory_space<vmem>>
    %dma_wait3A_259 = arith.constant 0 : i32
    %dma_wait3A_260 = arith.constant 0 : i32
    %dma_wait3A_261 = tpu.memref_slice %arg2[%dma_wait3A_259, %dma_wait3A_260] : memref<2000000x64xf32, #tpu.memory_space<hbm>> -> memref<128x64xf32, #tpu.memory_space<hbm>>
    %dma_wait3A_262 = arith.constant 896 : i32
    %dma_wait3A_263 = arith.constant 0 : i32
    %dma_wait3A_264 = tpu.memref_slice %arg6[%dma_wait3A_262, %dma_wait3A_263] : memref<1024x64xf32, #tpu.memory_space<vmem>> -> memref<128x64xf32, #tpu.memory_space<vmem>>
    %dma_wait3A_265 = arith.constant 0 : i32
    %dma_wait3A_266 = arith.constant 0 : i32
    %dma_wait3A_267 = tpu.memref_slice %arg2[%dma_wait3A_265, %dma_wait3A_266] : memref<2000000x64xf32, #tpu.memory_space<hbm>> -> memref<128x64xf32, #tpu.memory_space<hbm>>
    tpu.wait_dma2 semaphore(%arg14 : memref<!tpu.dma_semaphore, #tpu.memory_space<semaphore_mem>>) src(%dma_wait3A_267 : memref<128x64xf32, #tpu.memory_space<hbm>>) dst(%dma_wait3A_264 : memref<128x64xf32, #tpu.memory_space<vmem>>)
    %add3A_268 = arith.constant 25472 : i32
    %add3A_269 = arith.addi %mul3A_4, %add3A_268 : i32
    %dma_start3A_270 = arith.constant 896 : i32
    %dma_start3A_271 = arith.constant 0 : i32
    %dma_start3A_272 = tpu.memref_slice %arg6[%dma_start3A_270, %dma_start3A_271] : memref<1024x64xf32, #tpu.memory_space<vmem>> -> memref<128x64xf32, #tpu.memory_space<vmem>>
    %dma_start3A_273 = arith.constant 0 : i32
    %dma_start3A_274 = tpu.memref_slice %arg4[%add3A_269, %dma_start3A_273] : memref<819200x128xf32, #tpu.memory_space<hbm>> -> memref<128x64xf32, #tpu.memory_space<hbm>>
    %dma_start3A_275 = arith.constant 0 : i32
    %dma_start3A_276 = tpu.memref_slice %arg4[%add3A_269, %dma_start3A_275] : memref<819200x128xf32, #tpu.memory_space<hbm>> -> memref<128x64xf32, #tpu.memory_space<hbm>>
    %dma_start3A_277 = arith.constant 896 : i32
    %dma_start3A_278 = arith.constant 0 : i32
    %dma_start3A_279 = tpu.memref_slice %arg6[%dma_start3A_277, %dma_start3A_278] : memref<1024x64xf32, #tpu.memory_space<vmem>> -> memref<128x64xf32, #tpu.memory_space<vmem>>
    tpu.enqueue_dma source(%dma_start3A_279 : memref<128x64xf32, #tpu.memory_space<vmem>>) target(%dma_start3A_276 : memref<128x64xf32, #tpu.memory_space<hbm>>) target_semaphore(%arg22 : memref<!tpu.dma_semaphore, #tpu.memory_space<semaphore_mem>>)
    %dma_wait3A_280 = arith.constant 0 : i32
    %dma_wait3A_281 = arith.constant 0 : i32
    %dma_wait3A_282 = tpu.memref_slice %arg6[%dma_wait3A_280, %dma_wait3A_281] : memref<1024x64xf32, #tpu.memory_space<vmem>> -> memref<128x64xf32, #tpu.memory_space<vmem>>
    %dma_wait3A_283 = arith.constant 0 : i32
    %dma_wait3A_284 = arith.constant 0 : i32
    %dma_wait3A_285 = tpu.memref_slice %arg4[%dma_wait3A_283, %dma_wait3A_284] : memref<819200x128xf32, #tpu.memory_space<hbm>> -> memref<128x64xf32, #tpu.memory_space<hbm>>
    %dma_wait3A_286 = arith.constant 0 : i32
    %dma_wait3A_287 = arith.constant 0 : i32
    %dma_wait3A_288 = tpu.memref_slice %arg4[%dma_wait3A_286, %dma_wait3A_287] : memref<819200x128xf32, #tpu.memory_space<hbm>> -> memref<128x64xf32, #tpu.memory_space<hbm>>
    %dma_wait3A_289 = arith.constant 0 : i32
    %dma_wait3A_290 = arith.constant 0 : i32
    %dma_wait3A_291 = tpu.memref_slice %arg6[%dma_wait3A_289, %dma_wait3A_290] : memref<1024x64xf32, #tpu.memory_space<vmem>> -> memref<128x64xf32, #tpu.memory_space<vmem>>
    tpu.wait_dma2 semaphore(%arg15 : memref<!tpu.dma_semaphore, #tpu.memory_space<semaphore_mem>>) src(%dma_wait3A_291 : memref<128x64xf32, #tpu.memory_space<vmem>>) dst(%dma_wait3A_288 : memref<128x64xf32, #tpu.memory_space<hbm>>)
    %dma_wait3A_292 = arith.constant 128 : i32
    %dma_wait3A_293 = arith.constant 0 : i32
    %dma_wait3A_294 = tpu.memref_slice %arg6[%dma_wait3A_292, %dma_wait3A_293] : memref<1024x64xf32, #tpu.memory_space<vmem>> -> memref<128x64xf32, #tpu.memory_space<vmem>>
    %dma_wait3A_295 = arith.constant 0 : i32
    %dma_wait3A_296 = arith.constant 0 : i32
    %dma_wait3A_297 = tpu.memref_slice %arg4[%dma_wait3A_295, %dma_wait3A_296] : memref<819200x128xf32, #tpu.memory_space<hbm>> -> memref<128x64xf32, #tpu.memory_space<hbm>>
    %dma_wait3A_298 = arith.constant 0 : i32
    %dma_wait3A_299 = arith.constant 0 : i32
    %dma_wait3A_300 = tpu.memref_slice %arg4[%dma_wait3A_298, %dma_wait3A_299] : memref<819200x128xf32, #tpu.memory_space<hbm>> -> memref<128x64xf32, #tpu.memory_space<hbm>>
    %dma_wait3A_301 = arith.constant 128 : i32
    %dma_wait3A_302 = arith.constant 0 : i32
    %dma_wait3A_303 = tpu.memref_slice %arg6[%dma_wait3A_301, %dma_wait3A_302] : memref<1024x64xf32, #tpu.memory_space<vmem>> -> memref<128x64xf32, #tpu.memory_space<vmem>>
    tpu.wait_dma2 semaphore(%arg16 : memref<!tpu.dma_semaphore, #tpu.memory_space<semaphore_mem>>) src(%dma_wait3A_303 : memref<128x64xf32, #tpu.memory_space<vmem>>) dst(%dma_wait3A_300 : memref<128x64xf32, #tpu.memory_space<hbm>>)
    %dma_wait3A_304 = arith.constant 256 : i32
    %dma_wait3A_305 = arith.constant 0 : i32
    %dma_wait3A_306 = tpu.memref_slice %arg6[%dma_wait3A_304, %dma_wait3A_305] : memref<1024x64xf32, #tpu.memory_space<vmem>> -> memref<128x64xf32, #tpu.memory_space<vmem>>
    %dma_wait3A_307 = arith.constant 0 : i32
    %dma_wait3A_308 = arith.constant 0 : i32
    %dma_wait3A_309 = tpu.memref_slice %arg4[%dma_wait3A_307, %dma_wait3A_308] : memref<819200x128xf32, #tpu.memory_space<hbm>> -> memref<128x64xf32, #tpu.memory_space<hbm>>
    %dma_wait3A_310 = arith.constant 0 : i32
    %dma_wait3A_311 = arith.constant 0 : i32
    %dma_wait3A_312 = tpu.memref_slice %arg4[%dma_wait3A_310, %dma_wait3A_311] : memref<819200x128xf32, #tpu.memory_space<hbm>> -> memref<128x64xf32, #tpu.memory_space<hbm>>
    %dma_wait3A_313 = arith.constant 256 : i32
    %dma_wait3A_314 = arith.constant 0 : i32
    %dma_wait3A_315 = tpu.memref_slice %arg6[%dma_wait3A_313, %dma_wait3A_314] : memref<1024x64xf32, #tpu.memory_space<vmem>> -> memref<128x64xf32, #tpu.memory_space<vmem>>
    tpu.wait_dma2 semaphore(%arg17 : memref<!tpu.dma_semaphore, #tpu.memory_space<semaphore_mem>>) src(%dma_wait3A_315 : memref<128x64xf32, #tpu.memory_space<vmem>>) dst(%dma_wait3A_312 : memref<128x64xf32, #tpu.memory_space<hbm>>)
    %dma_wait3A_316 = arith.constant 384 : i32
    %dma_wait3A_317 = arith.constant 0 : i32
    %dma_wait3A_318 = tpu.memref_slice %arg6[%dma_wait3A_316, %dma_wait3A_317] : memref<1024x64xf32, #tpu.memory_space<vmem>> -> memref<128x64xf32, #tpu.memory_space<vmem>>
    %dma_wait3A_319 = arith.constant 0 : i32
    %dma_wait3A_320 = arith.constant 0 : i32
    %dma_wait3A_321 = tpu.memref_slice %arg4[%dma_wait3A_319, %dma_wait3A_320] : memref<819200x128xf32, #tpu.memory_space<hbm>> -> memref<128x64xf32, #tpu.memory_space<hbm>>
    %dma_wait3A_322 = arith.constant 0 : i32
    %dma_wait3A_323 = arith.constant 0 : i32
    %dma_wait3A_324 = tpu.memref_slice %arg4[%dma_wait3A_322, %dma_wait3A_323] : memref<819200x128xf32, #tpu.memory_space<hbm>> -> memref<128x64xf32, #tpu.memory_space<hbm>>
    %dma_wait3A_325 = arith.constant 384 : i32
    %dma_wait3A_326 = arith.constant 0 : i32
    %dma_wait3A_327 = tpu.memref_slice %arg6[%dma_wait3A_325, %dma_wait3A_326] : memref<1024x64xf32, #tpu.memory_space<vmem>> -> memref<128x64xf32, #tpu.memory_space<vmem>>
    tpu.wait_dma2 semaphore(%arg18 : memref<!tpu.dma_semaphore, #tpu.memory_space<semaphore_mem>>) src(%dma_wait3A_327 : memref<128x64xf32, #tpu.memory_space<vmem>>) dst(%dma_wait3A_324 : memref<128x64xf32, #tpu.memory_space<hbm>>)
    %dma_wait3A_328 = arith.constant 512 : i32
    %dma_wait3A_329 = arith.constant 0 : i32
    %dma_wait3A_330 = tpu.memref_slice %arg6[%dma_wait3A_328, %dma_wait3A_329] : memref<1024x64xf32, #tpu.memory_space<vmem>> -> memref<128x64xf32, #tpu.memory_space<vmem>>
    %dma_wait3A_331 = arith.constant 0 : i32
    %dma_wait3A_332 = arith.constant 0 : i32
    %dma_wait3A_333 = tpu.memref_slice %arg4[%dma_wait3A_331, %dma_wait3A_332] : memref<819200x128xf32, #tpu.memory_space<hbm>> -> memref<128x64xf32, #tpu.memory_space<hbm>>
    %dma_wait3A_334 = arith.constant 0 : i32
    %dma_wait3A_335 = arith.constant 0 : i32
    %dma_wait3A_336 = tpu.memref_slice %arg4[%dma_wait3A_334, %dma_wait3A_335] : memref<819200x128xf32, #tpu.memory_space<hbm>> -> memref<128x64xf32, #tpu.memory_space<hbm>>
    %dma_wait3A_337 = arith.constant 512 : i32
    %dma_wait3A_338 = arith.constant 0 : i32
    %dma_wait3A_339 = tpu.memref_slice %arg6[%dma_wait3A_337, %dma_wait3A_338] : memref<1024x64xf32, #tpu.memory_space<vmem>> -> memref<128x64xf32, #tpu.memory_space<vmem>>
    tpu.wait_dma2 semaphore(%arg19 : memref<!tpu.dma_semaphore, #tpu.memory_space<semaphore_mem>>) src(%dma_wait3A_339 : memref<128x64xf32, #tpu.memory_space<vmem>>) dst(%dma_wait3A_336 : memref<128x64xf32, #tpu.memory_space<hbm>>)
    %dma_wait3A_340 = arith.constant 640 : i32
    %dma_wait3A_341 = arith.constant 0 : i32
    %dma_wait3A_342 = tpu.memref_slice %arg6[%dma_wait3A_340, %dma_wait3A_341] : memref<1024x64xf32, #tpu.memory_space<vmem>> -> memref<128x64xf32, #tpu.memory_space<vmem>>
    %dma_wait3A_343 = arith.constant 0 : i32
    %dma_wait3A_344 = arith.constant 0 : i32
    %dma_wait3A_345 = tpu.memref_slice %arg4[%dma_wait3A_343, %dma_wait3A_344] : memref<819200x128xf32, #tpu.memory_space<hbm>> -> memref<128x64xf32, #tpu.memory_space<hbm>>
    %dma_wait3A_346 = arith.constant 0 : i32
    %dma_wait3A_347 = arith.constant 0 : i32
    %dma_wait3A_348 = tpu.memref_slice %arg4[%dma_wait3A_346, %dma_wait3A_347] : memref<819200x128xf32, #tpu.memory_space<hbm>> -> memref<128x64xf32, #tpu.memory_space<hbm>>
    %dma_wait3A_349 = arith.constant 640 : i32
    %dma_wait3A_350 = arith.constant 0 : i32
    %dma_wait3A_351 = tpu.memref_slice %arg6[%dma_wait3A_349, %dma_wait3A_350] : memref<1024x64xf32, #tpu.memory_space<vmem>> -> memref<128x64xf32, #tpu.memory_space<vmem>>
    tpu.wait_dma2 semaphore(%arg20 : memref<!tpu.dma_semaphore, #tpu.memory_space<semaphore_mem>>) src(%dma_wait3A_351 : memref<128x64xf32, #tpu.memory_space<vmem>>) dst(%dma_wait3A_348 : memref<128x64xf32, #tpu.memory_space<hbm>>)
    %dma_wait3A_352 = arith.constant 768 : i32
    %dma_wait3A_353 = arith.constant 0 : i32
    %dma_wait3A_354 = tpu.memref_slice %arg6[%dma_wait3A_352, %dma_wait3A_353] : memref<1024x64xf32, #tpu.memory_space<vmem>> -> memref<128x64xf32, #tpu.memory_space<vmem>>
    %dma_wait3A_355 = arith.constant 0 : i32
    %dma_wait3A_356 = arith.constant 0 : i32
    %dma_wait3A_357 = tpu.memref_slice %arg4[%dma_wait3A_355, %dma_wait3A_356] : memref<819200x128xf32, #tpu.memory_space<hbm>> -> memref<128x64xf32, #tpu.memory_space<hbm>>
    %dma_wait3A_358 = arith.constant 0 : i32
    %dma_wait3A_359 = arith.constant 0 : i32
    %dma_wait3A_360 = tpu.memref_slice %arg4[%dma_wait3A_358, %dma_wait3A_359] : memref<819200x128xf32, #tpu.memory_space<hbm>> -> memref<128x64xf32, #tpu.memory_space<hbm>>
    %dma_wait3A_361 = arith.constant 768 : i32
    %dma_wait3A_362 = arith.constant 0 : i32
    %dma_wait3A_363 = tpu.memref_slice %arg6[%dma_wait3A_361, %dma_wait3A_362] : memref<1024x64xf32, #tpu.memory_space<vmem>> -> memref<128x64xf32, #tpu.memory_space<vmem>>
    tpu.wait_dma2 semaphore(%arg21 : memref<!tpu.dma_semaphore, #tpu.memory_space<semaphore_mem>>) src(%dma_wait3A_363 : memref<128x64xf32, #tpu.memory_space<vmem>>) dst(%dma_wait3A_360 : memref<128x64xf32, #tpu.memory_space<hbm>>)
    %dma_wait3A_364 = arith.constant 896 : i32
    %dma_wait3A_365 = arith.constant 0 : i32
    %dma_wait3A_366 = tpu.memref_slice %arg6[%dma_wait3A_364, %dma_wait3A_365] : memref<1024x64xf32, #tpu.memory_space<vmem>> -> memref<128x64xf32, #tpu.memory_space<vmem>>
    %dma_wait3A_367 = arith.constant 0 : i32
    %dma_wait3A_368 = arith.constant 0 : i32
    %dma_wait3A_369 = tpu.memref_slice %arg4[%dma_wait3A_367, %dma_wait3A_368] : memref<819200x128xf32, #tpu.memory_space<hbm>> -> memref<128x64xf32, #tpu.memory_space<hbm>>
    %dma_wait3A_370 = arith.constant 0 : i32
    %dma_wait3A_371 = arith.constant 0 : i32
    %dma_wait3A_372 = tpu.memref_slice %arg4[%dma_wait3A_370, %dma_wait3A_371] : memref<819200x128xf32, #tpu.memory_space<hbm>> -> memref<128x64xf32, #tpu.memory_space<hbm>>
    %dma_wait3A_373 = arith.constant 896 : i32
    %dma_wait3A_374 = arith.constant 0 : i32
    %dma_wait3A_375 = tpu.memref_slice %arg6[%dma_wait3A_373, %dma_wait3A_374] : memref<1024x64xf32, #tpu.memory_space<vmem>> -> memref<128x64xf32, #tpu.memory_space<vmem>>
    tpu.wait_dma2 semaphore(%arg22 : memref<!tpu.dma_semaphore, #tpu.memory_space<semaphore_mem>>) src(%dma_wait3A_375 : memref<128x64xf32, #tpu.memory_space<vmem>>) dst(%dma_wait3A_372 : memref<128x64xf32, #tpu.memory_space<hbm>>)
    return
  }
}

</mosaic_0001>

<sc_bundles>
// kernel: kernel.3.cloned.1.call-start
scs
__scs_entry_jumppad:
0x0: {  	(pc) =	sbr.rel $0x88, $3  }
0x1: {  	(tag) =	ssettag $0x0;
	lr =	simm.s32 $0x1  }
0x2: {  	[smem:$0x3F9F] =	sst lr;
	_ =	strace $0xD0000000  }
0x3: {  	_ = 	snop  }
0x4: {  	_ = 	snop  }
0x5: {  	_ = 	snop  }
0x6: {  	_ = 	snop  }
0x7: {  	_ = 	snop  }
__scs_overlays_trampoline_lowered:
0x8: {  	[smem:$0x3FAE] =	sst s0  }
0x9: {  	[smem:$0x3FAF] =	sst s1  }
0xa: {  	[smem:$0x3FB0] =	sst s2  }
0xb: {  	[smem:$0x3FB1] =	sst s3  }
0xc: {  	[smem:$0x3FB2] =	sst s4  }
0xd: {  	[smem:$0x3FB3] =	sst s5  }
0xe: {  	[smem:$0x3FB4] =	sst s6  }
0xf: {  	[smem:$0x3FB5] =	sst s7  }
0x10: {  	[smem:$0x3FB6] =	sst s8  }
0x11: {  	[smem:$0x3FB7] =	sst s9;
	s0 =	simm.s32 @!p0 $0x0  }
0x12: {  	s1 =	sld [smem:$0x3F9D];
	s0 =	simm.s32 @p0 $0x1  }
0x13: {  	[smem:$0x3FB8] =	sst s0;
	s0 =	simm.s32 @!p1 $0x0  }
0x14: {  	s2 =	sld [smem:$0x3F9C];
	s0 =	simm.s32 @p1 $0x1  }
0x15: {  	[smem:$0x3FB9] =	sst s0;
	s0 =	simm.s32 @!p2 $0x0  }
0x16: {  	s3 =	sld [smem:$0x3FDB];
	s0 =	simm.s32 @p2 $0x1  }
0x17: {  	s4 =	simm.s32 $0x1BF5;
	[smem:$0x3FBB] =	sst s0  }
0x18: {  	s0 =	sld [smem:$0x3F9E];
	_ =	swait.ge [sflag:s4], $0x0  }
0x19: {  	s7 =	sld [smem:$0x3F9F]  }
0x1a: {  	s8 =	sadd.s32 $0xFFFFE003, lr  }
0x1b: {  	s9 =	sadd.s32 $0xFFFFFEF7, lr;
	s5 =	simm.s32 $0xFFFFFFFF;
	p2 =	slt.u32 s8, $0xFFFFF086  }
0x1c: {  	p1 =	slt.u32 s9, $0xF7A;
	s5 =	simm.s32 @!p2 $0x0  }
0x1d: {  	s5 =	simm.s32 @p1 $0x1;
	p0 =	seq.s32 s7, s2  }
0x1e: {  	s7 =	smul.u32 @!p0 $0xF7A, s2;
	p2 =	seq.s32 @!p0 s5, $0x0  }
0x1f: {  	s9 =	smul.u32 $0xF7A, s1;
	s8 =	simm.s32 @!p0 $0x1BF5;
	p2 =	por !p2, p0  }
0x20: {  	[sflag:s8] =	ssyncset.s32 @!p0 $0xFFFFF086;
	s6 =	sadd.s32 @!p0 s3, s7;
	s7 =	simm.s32 @!p0 $0x108  }
0x21: {  	s3 =	sadd.s32 s3, s9;
	s6 =	sadd.s32 @!p0 $0x88, s6;
	s7 =	simm.s32 @p2 $0x1082  }
0x22: {  	[simem:s7], [sflag:s8] =	dma.local @!p0 [hbm:s6], $0xF7A  }
0x23: {  	s9 =	sor.u32 $0xD0000000, s2;
	s6 =	simm.s32 $0x108;
	_ =	swait.ge @!p0 [sflag:s8], $0x0  }
0x24: {  	s3 =	sadd.s32 $0x88, s3;
	s6 =	simm.s32 @!p1 $0x1082;
	[sflag:s4] =	ssyncset.s32 $0xFFFFF086  }
0x25: {  	[simem:s6], [sflag:s4] =	dma.local [hbm:s3], $0xF7A  }
0x26: {  	[smem:$0x3F9F] =	sst s1;
	(tag) =	ssettag s2;
	_ =	strace s9  }
0x27: {  	s1 =	sld [smem:$0x3FAF]  }
0x28: {  	s2 =	sld [smem:$0x3FB0]  }
0x29: {  	s4 =	sld [smem:$0x3FB2]  }
0x2a: {  	p0 =	seq.s32 s5, $0x0;
	s5 =	sld [smem:$0x3FB3]  }
0x2b: {  	s6 =	sld [smem:$0x3FB4]  }
0x2c: {  	s7 =	sld [smem:$0x3FB5]  }
0x2d: {  	s3 =	simm.s32 $0x108;
	s8 =	sld [smem:$0x3FB6]  }
0x2e: {  	s3 =	simm.s32 @!p0 $0x1082;
	s9 =	sld [smem:$0x3FB7]  }
0x2f: {  	lr =	sadd.s32 s0, s3;
	s0 =	sld [smem:$0x3FAE]  }
0x30: {  	s3 =	sld [smem:$0x3FB1]  }
0x31: {  	[smem:$0x3FBA] =	sst s10  }
0x32: {  	s10 =	sld [smem:$0x3FB8];
	_ =	sdelay $0x3  }
0x33: {  	p0 =	seq.s32 s10, $0x1;
	s10 =	sld [smem:$0x3FBA];
	_ =	sdelay $0x3  }
0x34: {  	[smem:$0x3FBA] =	sst s10  }
0x35: {  	s10 =	sld [smem:$0x3FB9];
	_ =	sdelay $0x3  }
0x36: {  	p1 =	seq.s32 s10, $0x1;
	s10 =	sld [smem:$0x3FBA];
	_ =	sdelay $0x3  }
0x37: {  	[smem:$0x3FBA] =	sst s10  }
0x38: {  	s10 =	sld [smem:$0x3FBB]  }
0x39: {  	_ = 	snop;
	(pc) =	sbr.ind lr, $3  }
0x3a: {  	_ = 	snop  }
0x3b: {  	_ = 	snop  }
0x3c: {  	p2 =	seq.s32 s10, $0x1;
	s10 =	sld [smem:$0x3FBA]  }
0x3d: {  	_ =	shalt  }
0x3e: {  	_ =	shalt  }
0x3f: {  	_ =	shalt  }
0x40: {  	_ =	shalt  }
0x41: {  	_ =	shalt  }
0x42: {  	_ =	shalt  }
0x43: {  	_ =	shalt  }
0x44: {  	_ =	shalt  }
0x45: {  	_ =	shalt  }
0x46: {  	_ =	shalt  }
0x47: {  	_ =	shalt  }
0x48: {  	_ =	shalt  }
0x49: {  	_ =	shalt  }
0x4a: {  	_ =	shalt  }
0x4b: {  	_ =	shalt  }
0x4c: {  	_ =	shalt  }
0x4d: {  	_ =	shalt  }
0x4e: {  	_ =	shalt  }
0x4f: {  	_ =	shalt  }
0x50: {  	_ =	shalt  }
0x51: {  	_ =	shalt  }
0x52: {  	_ =	shalt  }
0x53: {  	_ =	shalt  }
0x54: {  	_ =	shalt  }
0x55: {  	_ =	shalt  }
0x56: {  	_ =	shalt  }
0x57: {  	_ =	shalt  }
0x58: {  	_ =	shalt  }
0x59: {  	_ =	shalt  }
0x5a: {  	_ =	shalt  }
0x5b: {  	_ =	shalt  }
0x5c: {  	_ =	shalt  }
0x5d: {  	_ =	shalt  }
0x5e: {  	_ =	shalt  }
0x5f: {  	_ =	shalt  }
0x60: {  	_ =	shalt  }
0x61: {  	_ =	shalt  }
0x62: {  	_ =	shalt  }
0x63: {  	_ =	shalt  }
0x64: {  	_ =	shalt  }
0x65: {  	_ =	shalt  }
0x66: {  	_ =	shalt  }
0x67: {  	_ =	shalt  }
0x68: {  	_ =	shalt  }
0x69: {  	_ =	shalt  }
0x6a: {  	_ =	shalt  }
0x6b: {  	_ =	shalt  }
0x6c: {  	_ =	shalt  }
0x6d: {  	_ =	shalt  }
0x6e: {  	_ =	shalt  }
0x6f: {  	_ =	shalt  }
0x70: {  	_ =	shalt  }
0x71: {  	_ =	shalt  }
0x72: {  	_ =	shalt  }
0x73: {  	_ =	shalt  }
0x74: {  	_ =	shalt  }
0x75: {  	_ =	shalt  }
0x76: {  	_ =	shalt  }
0x77: {  	_ =	shalt  }
0x78: {  	_ =	shalt  }
0x79: {  	_ =	shalt  }
0x7a: {  	_ =	shalt  }
0x7b: {  	_ =	shalt  }
0x7c: {  	_ =	shalt  }
0x7d: {  	_ =	shalt  }
0x7e: {  	_ =	shalt  }
0x7f: {  	_ =	shalt  }
0x80: {  	_ =	shalt  }
0x81: {  	_ =	shalt  }
0x82: {  	_ =	shalt  }
0x83: {  	_ =	shalt  }
0x84: {  	_ =	shalt  }
0x85: {  	_ =	shalt  }
0x86: {  	_ =	shalt  }
0x87: {  	_ =	shalt  }
.Lfunc_end0:
.L_simem_size_0:
called_computation.2_lowered:
.L_overlay_start_0:
0x88: {  	s2 =	sld [smem:$0x3FD9]  }
0x89: {  	s3 =	sld [smem:$0x3FFE];
	_ =	sdelay $0x1  }
0x8a: {  	s1 =	srdreg.scid  }
0x8b: {  	s0 =	sand.u32 $0x1, s1  }
0x8c: {  	s17 =	sshll.u32 s0, $0xA;
	s2 =	sadd.s32 s3, s2  }
0x8d: {  	s2 =	sadd.s32 s2, s17  }
0x8e: {  	[smem:$0x3FC6] =	sst s2  }
0x8f: {  	_ = 	snop  }
0x90: {  	s2 =	sld [smem:$0x3FD0];
	(tm) =	ssettm $0x1  }
0x91: {  	s18 =	sld [smem:$0x3FFB];
	_ =	sdelay $0x3  }
0x92: {  	_ =	strace s18  }
0x93: {  	s3 =	sld [smem:$0x3FFC];
	_ =	sdelay $0x3  }
0x94: {  	_ =	strace s3  }
0x95: {  	s3 =	sld [smem:$0x3FFD];
	_ =	sdelay $0x3  }
0x96: {  	_ =	strace s3  }
0x97: {  	_ =	strace $0x8FFFFFFF  }
0x98: {  	s19 =	sld [smem:$0x3FDB];
	_ =	sdelay $0x1  }
0x99: {  	s4 =	simm.s32 $_scs_section_size  }
0x9a: {  	s5 =	simm.s32 $_size__tile_overlayer_lowered;
	s6 =	simm.s32 $_tile_overlayer_lowered  }
0x9b: {  	s22 =	simm.s32 $0x1BFF;
	s21 =	sshll.u32 s6, $0x1;
	s3 =	sadd.s32 s4, s19  }
0x9c: {  	s7 =	simm.s32 $0x0;
	s20 =	sshll.u32 s5, $0x1;
	s5 =	sadd.s32 s21, s3  }
0x9d: {  	[timem:s7], [sflag:s22] =	dma.local [hbm:s5], s20  }
0x9e: {  	_ =	swait.ge [sflag:s22], s20  }
0x9f: {  	s4 =	ssub.s32 $0x0, s20;
	[sflag:s22] =	ssyncset.done $0x0  }
0xa0: {  	[sflag:s22] =	ssyncadd.s32 s4;
	_ =	sdelay $0x1  }
0xa1: {  	s23 =	simm.s32 $0x1B8B  }
0xa2: {  	_ =	swait.ge [sflag:s23], $0x1  }
0xa3: {  	[sflag:s23] =	ssyncset.done $0x0  }
0xa4: {  	s25 =	simm.s32 $0x1B8E;
	s24 =	sld [smem:$0x3FFE];
	[sflag:s23] =	ssyncadd.s32 $0xFFFFFFFF  }
0xa5: {  	s26 =	simm.s32 $execute0_lowered;
	[smem:$0x3FD2] =	sst s25  }
0xa6: {  	s5 =	sshll.u32 s26, $0x1;
	_ =	strace $0x80000049;
	[dreg:$0x1] =	wrdreg $0xFFFFFFFF  }
0xa7: {  	s28 =	simm.s32 $_size_execute0_lowered;
	s3 =	sadd.s32 s3, s5;
	[dreg:$0x0] =	wrdreg $0x0  }
0xa8: {  	s5 =	sshll.u32 s28, $0x1;
	[dreg:$0x2] =	wrdreg s3  }
0xa9: {  	[dreg:$0x3] =	wrdreg s5  }
0xaa: {  	[dreg:$0x4] =	wrdreg $0xC0  }
0xab: {  	_ =	task [dreg:s7], $0x5FFFF  }
0xac: {  	[dreg:$0x1] =	wrdreg $0xFFFFFFFF  }
0xad: {  	[dreg:$0x0] =	wrdreg $0x60  }
0xae: {  	[dreg:$0x2] =	wrdreg s24  }
0xaf: {  	[dreg:$0x3] =	wrdreg s2  }
0xb0: {  	[dreg:$0x4] =	wrdreg $0x9  }
0xb1: {  	_ =	task.clear_ibuf [dreg:s7], $0x5FFFF;
	_ =	strace $0x90000049  }
0xb2: {  	s29 =	simm.s32 $0x9;
	_ =	strace $0x8000004B  }
0xb3: {  	_ =	swait.ge [sflag:s29], $0x1  }
0xb4: {  	[sflag:s29] =	ssyncadd.s32 $0xFFFFFFFF  }
0xb5: {  	_ =	strace $0x9000004B  }
0xb6: {  	_ =	sfence  }
0xb7: {  	s30 =	sld [smem:$0x0];
	_ =	sdelay $0x2  }
0xb8: {  	s31 =	sshll.u32 s1, $0xD;
	s1 =	sshrl.u32 s1, $0x2  }
0xb9: {  	s3 =	sand.u32 $0x4000, s31;
	s1 =	sadd.s32 s1, s30  }
0xba: {  	s0 =	sor.u32 s3, s0;
	s1 =	sshll.u32 s1, $0x11  }
0xbb: {  	s0 =	sor.u32 s1, s0  }
0xbc: {  	s0 =	sadd.s32 $0x8F2B, s0  }
0xbd: {  	[sflag:s0] =	ssyncadd.remote.s32 $0x1  }
0xbe: {  	_ =	sfence.sel $0xFFFF  }
0xbf: {  	[dreg:$0x0] =	wrdreg $0xFFFFFFFF;
	(pc) =	sbr.abs _section_cstart, $3  }
0xc0: {  	[dreg:$0x1] =	wrdreg $0xFFFFFFFF  }
0xc1: {  	_ =	task.clear_ibuf [dreg:s7], $0x2FFFF;
	_ =	strace $0x9FFFFFFF  }
0xc2: {  	(tm) =	ssettm $0x7FFFFFFF  }
0xc3: {  	_ =	shalt  }
tec
execute0_lowered:
.L_overlay_start_1:
0x0: {  	(tag) =	ssettag $0x1  }
0x1: {  	s0 =	rddreg [dreg:$0x0];
	s1 =	srdreg.scid  }
0x2: {  	s4 =	stileid.u32;
	s2 =	rddreg [dreg:$0x1]  }
0x3: {  	s6 =	simm.s32 $0x0;
	s29 =	simm.s32 $0x10400;
	s30 =	simm.s32 $0x2  }
0x4: {  	s28 =	simm.s32 $0x9;
	s31 =	simm.s32 $0x5;
	s10 =	simm.s32 $0xD  }
0x5: {  	s11 =	simm.s32 $0xE;
	s1 =	sand.u32 $0x1, s1;
	s3 =	sshll.u32 s4, $0x1  }
0x6: {  	[smem:$0x7FF] =	sst s6;
	s7 =	smul.u32 $0xC800, s4;
	s5 =	sor.u32 s1, s3  }
0x7: {  	s13 =	sadd.s32 $0xE00, s0;
	_ =	strace $0x8000004A;
	s9 =	smul.u32 $0xC80, s5  }
0x8: {  	s3 =	sadd.s32 $0xF43200, s0;
	s8 =	ssub.s32 $0x2, s1;
	s12 =	smul.u32 $0x64000, s5  }
0x9: {  	[dreg:$0xb] =	wrdreg s13;
	s14 =	sshrl.u32 s8, $0x1;
	s2 =	sadd.s32 s2, s9  }
0xa: {  	s0 =	ssub.s32 s8, s14;
	s6 =	sadd.s32 s13, s12;
	[dreg:$0xd] =	wrdreg s2  }
0xb: {  	s1 =	smul.u32 $0x6400, s1;
	s0 =	smax.u32 s0, $0x1;
	[dreg:$0xc] =	wrdreg s6  }
0xc: {  	s17 =	smul.u32 $0x320000, s5;
	s15 =	sadd.s32 $0x800, s6;
	[dreg:$0x15] =	wrdreg s0  }
0xd: {  	s1 =	sadd.s32 s1, s7;
	s16 =	sadd.s32 $0x1000, s6;
	[dreg:$0xe] =	wrdreg s15  }
0xe: {  	s1 =	sshll.u32 s1, $0x4;
	s6 =	sadd.s32 $0x1800, s6;
	[dreg:$0xf] =	wrdreg s16  }
0xf: {  	s5 =	simm.s32 $0x0;
	s18 =	sor.u32 $0x3800, s1;
	[dreg:$0x10] =	wrdreg s6  }
0x10: {  	s7 =	simm.s32 $0x7;
	s19 =	sor.u32 $0x3000, s1;
	[dreg:$0x3] =	wrdreg s18  }
0x11: {  	s8 =	simm.s32 $0xC;
	s20 =	sor.u32 $0x2800, s1;
	[dreg:$0x4] =	wrdreg s19  }
0x12: {  	s9 =	simm.s32 $0x8;
	s21 =	sor.u32 $0x2000, s1;
	[dreg:$0x5] =	wrdreg s20  }
0x13: {  	s12 =	simm.s32 $0xF;
	s22 =	sadd.s32 $0x5800, s1;
	[dreg:$0x6] =	wrdreg s21  }
0x14: {  	s2 =	sshrl.u32 s17, $0x3;
	s24 =	sadd.s32 $0x5000, s1;
	[dreg:$0x7] =	wrdreg s22  }
0x15: {  	s26 =	sadd.s32 $0x4800, s1;
	s1 =	sadd.s32 $0x4000, s1;
	[dreg:$0x8] =	wrdreg s24  }
0x16: {  	s17 =	simm.s32 $0x6400;
	s0 =	simm.s32 $0x3;
	[dreg:$0x9] =	wrdreg s26  }
0x17: {  	s2 =	sadd.s32 s13, s2;
	[dreg:$0xa] =	wrdreg s1;
	s16 =	simm.s32 $0x80  }
0x18: {  	s18 =	simm.s32 $0x8400;
	s20 =	simm.s32 $0xA400;
	s22 =	simm.s32 $0xC400  }
0x19: {  	s24 =	simm.s32 $0xE400;
	s26 =	simm.s32 $0x40;
	s4 =	sadd.s32 $0x62000, s2  }
0x1a: {  	s1 =	simm.s32 $0x12400;
	s23 =	sadd.s32 $0x62800, s2;
	[dreg:$0x11] =	wrdreg s4  }
0x1b: {  	s21 =	simm.s32 $0x14400;
	s25 =	sadd.s32 $0x63000, s2;
	[dreg:$0x12] =	wrdreg s23  }
0x1c: {  	s19 =	simm.s32 $0xA;
	s2 =	sadd.s32 $0x63800, s2;
	[dreg:$0x13] =	wrdreg s25  }
0x1d: {  	s6 =	simm.s32 $0xB;
	s13 =	simm.s32 $0x10;
	[dreg:$0x14] =	wrdreg s2  }
0x1e: {  	s25 =	simm.s32 $0x1;
	s23 =	simm.s32 $0x4;
	s2 =	simm.s32 $0x6  }
.LBB2_1:
0x1f: {  	[dreg:$0x16] =	wrdreg s5  }
0x20: {  	s4 =	simm.s32 $0x0;
	s15 =	rddreg [dreg:$0xd];
	s14 =	simm.s32 $0x11  }
0x21: {  	[tilespmem:s4], [sflag:$0x11] =	stream.linear.gather [hbm4b:s15+s4], $0x6400, $0x38;
	[tilespmem:$0x16400] =	vst v63  }
0x22: {  	_ =	swait.ge [sflag:s14], $0x6400  }
0x23: {  	[sflag:s14] =	ssyncset.done $0x0  }
0x24: {  	[sflag:s14] =	ssyncadd.s32 $0xFFFF9C00  }
0x25: {  	[tilespmem:s17], [sflag:$0x1] =	stream.indirect.gather [hbm4b:s3+s16], $0x40, s4, s16, $0xb8;
	[tilespmem:$0x16400] =	vst v63  }
0x26: {  	_ = 	snop  }
0x27: {  	[tilespmem:s18], [sflag:$0x2] =	stream.indirect.gather [hbm4b:s3+s16], $0x40, s16, s16, $0xb8;
	[tilespmem:$0x16400] =	vst v63  }
0x28: {  	s15 =	simm.s32 $0x100  }
0x29: {  	[tilespmem:s20], [sflag:$0x3] =	stream.indirect.gather [hbm4b:s3+s16], $0x40, s15, s16, $0xb8;
	[tilespmem:$0x16400] =	vst v63  }
0x2a: {  	s5 =	simm.s32 $0x180  }
0x2b: {  	[tilespmem:s22], [sflag:$0x4] =	stream.indirect.gather [hbm4b:s3+s16], $0x40, s5, s16, $0xb8;
	[tilespmem:$0x16400] =	vst v63  }
0x2c: {  	s14 =	simm.s32 $0x200  }
0x2d: {  	[tilespmem:s24], [sflag:$0x5] =	stream.indirect.gather [hbm4b:s3+s16], $0x40, s14, s16, $0xb8;
	[tilespmem:$0x16400] =	vst v63  }
0x2e: {  	_ =	swait.ge [sflag:s25], $0x2000  }
0x2f: {  	[sflag:s25] =	ssyncset.done $0x0  }
0x30: {  	s15 =	rddreg [dreg:$0xc];
	[sflag:s25] =	ssyncadd.s32 $0xFFFFE000  }
0x31: {  	[hbm4b:s15+s26] =	stream.strided.scatter [tilespmem:s17], [sflag:$0x9], $0x2000, s16, s26, $0x38;
	[tilespmem:$0x16400] =	vst v63  }
0x32: {  	s5 =	simm.s32 $0x280  }
0x33: {  	[tilespmem:s29], [sflag:$0x6] =	stream.indirect.gather [hbm4b:s3+s16], $0x40, s5, s16, $0xb8;
	[tilespmem:$0x16400] =	vst v63  }
0x34: {  	_ =	swait.ge [sflag:s30], $0x2000  }
0x35: {  	[sflag:s30] =	ssyncset.done $0x0  }
0x36: {  	s14 =	rddreg [dreg:$0xe];
	[sflag:s30] =	ssyncadd.s32 $0xFFFFE000  }
0x37: {  	[hbm4b:s14+s26] =	stream.strided.scatter [tilespmem:s18], [sflag:$0xA], $0x2000, s16, s26, $0x38;
	[tilespmem:$0x16400] =	vst v63  }
0x38: {  	s15 =	simm.s32 $0x300  }
0x39: {  	[tilespmem:s1], [sflag:$0x7] =	stream.indirect.gather [hbm4b:s3+s16], $0x40, s15, s16, $0xb8;
	[tilespmem:$0x16400] =	vst v63  }
0x3a: {  	_ =	swait.ge [sflag:s0], $0x2000  }
0x3b: {  	[sflag:s0] =	ssyncset.done $0x0  }
0x3c: {  	s5 =	rddreg [dreg:$0xf];
	[sflag:s0] =	ssyncadd.s32 $0xFFFFE000  }
0x3d: {  	[hbm4b:s5+s26] =	stream.strided.scatter [tilespmem:s20], [sflag:$0xB], $0x2000, s16, s26, $0x38;
	[tilespmem:$0x16400] =	vst v63  }
0x3e: {  	s14 =	simm.s32 $0x380  }
0x3f: {  	[tilespmem:s21], [sflag:$0x8] =	stream.indirect.gather [hbm4b:s3+s16], $0x40, s14, s16, $0xb8;
	[tilespmem:$0x16400] =	vst v63  }
0x40: {  	_ =	swait.ge [sflag:s23], $0x2000  }
0x41: {  	[sflag:s23] =	ssyncset.done $0x0  }
0x42: {  	s15 =	rddreg [dreg:$0x10];
	[sflag:s23] =	ssyncadd.s32 $0xFFFFE000  }
0x43: {  	[hbm4b:s15+s26] =	stream.strided.scatter [tilespmem:s22], [sflag:$0xC], $0x2000, s16, s26, $0x38;
	[tilespmem:$0x16400] =	vst v63  }
0x44: {  	_ =	swait.ge [sflag:s28], $0x2000  }
0x45: {  	[sflag:s28] =	ssyncset.done $0x0  }
0x46: {  	s4 =	simm.s32 $0x400;
	[sflag:s28] =	ssyncadd.s32 $0xFFFFE000  }
0x47: {  	[tilespmem:s17], [sflag:$0x1] =	stream.indirect.gather [hbm4b:s3+s16], $0x40, s4, s16, $0xb8;
	[tilespmem:$0x16400] =	vst v63  }
0x48: {  	_ =	swait.ge [sflag:s31], $0x2000  }
0x49: {  	s14 =	rddreg [dreg:$0x6]  }
0x4a: {  	[sflag:s31] =	ssyncset.done $0x0;
	s4 =	rddreg [dreg:$0xb]  }
0x4b: {  	[sflag:s31] =	ssyncadd.s32 $0xFFFFE000;
	s5 =	sadd.s32 s4, s14  }
0x4c: {  	[hbm4b:s5+s26] =	stream.strided.scatter [tilespmem:s24], [sflag:$0xD], $0x2000, s16, s26, $0x38;
	[tilespmem:$0x16400] =	vst v63  }
0x4d: {  	_ =	swait.ge [sflag:s19], $0x2000  }
0x4e: {  	[sflag:s19] =	ssyncset.done $0x0  }
0x4f: {  	s15 =	simm.s32 $0x480;
	[sflag:s19] =	ssyncadd.s32 $0xFFFFE000  }
0x50: {  	[tilespmem:s18], [sflag:$0x2] =	stream.indirect.gather [hbm4b:s3+s16], $0x40, s15, s16, $0xb8;
	[tilespmem:$0x16400] =	vst v63  }
0x51: {  	_ =	swait.ge [sflag:s2], $0x2000  }
0x52: {  	s14 =	rddreg [dreg:$0x5];
	[sflag:s2] =	ssyncset.done $0x0  }
0x53: {  	[sflag:s2] =	ssyncadd.s32 $0xFFFFE000;
	s5 =	sadd.s32 s4, s14  }
0x54: {  	[hbm4b:s5+s26] =	stream.strided.scatter [tilespmem:s29], [sflag:$0xE], $0x2000, s16, s26, $0x38;
	[tilespmem:$0x16400] =	vst v63  }
0x55: {  	_ =	swait.ge [sflag:s6], $0x2000  }
0x56: {  	[sflag:s6] =	ssyncset.done $0x0  }
0x57: {  	s15 =	simm.s32 $0x500;
	[sflag:s6] =	ssyncadd.s32 $0xFFFFE000  }
0x58: {  	[tilespmem:s20], [sflag:$0x3] =	stream.indirect.gather [hbm4b:s3+s16], $0x40, s15, s16, $0xb8;
	[tilespmem:$0x16400] =	vst v63  }
0x59: {  	_ =	swait.ge [sflag:s7], $0x2000  }
0x5a: {  	s14 =	rddreg [dreg:$0x4];
	[sflag:s7] =	ssyncset.done $0x0  }
0x5b: {  	[sflag:s7] =	ssyncadd.s32 $0xFFFFE000;
	s5 =	sadd.s32 s4, s14  }
0x5c: {  	[hbm4b:s5+s26] =	stream.strided.scatter [tilespmem:s1], [sflag:$0xF], $0x2000, s16, s26, $0x38;
	[tilespmem:$0x16400] =	vst v63  }
0x5d: {  	_ =	swait.ge [sflag:s8], $0x2000  }
0x5e: {  	[sflag:s8] =	ssyncset.done $0x0  }
0x5f: {  	s15 =	simm.s32 $0x580;
	[sflag:s8] =	ssyncadd.s32 $0xFFFFE000  }
0x60: {  	[tilespmem:s22], [sflag:$0x4] =	stream.indirect.gather [hbm4b:s3+s16], $0x40, s15, s16, $0xb8;
	[tilespmem:$0x16400] =	vst v63  }
0x61: {  	_ =	swait.ge [sflag:s9], $0x2000  }
0x62: {  	s14 =	rddreg [dreg:$0x3];
	[sflag:s9] =	ssyncset.done $0x0  }
0x63: {  	[sflag:s9] =	ssyncadd.s32 $0xFFFFE000;
	s5 =	sadd.s32 s4, s14  }
0x64: {  	[hbm4b:s5+s26] =	stream.strided.scatter [tilespmem:s21], [sflag:$0x10], $0x2000, s16, s26, $0x38;
	[tilespmem:$0x16400] =	vst v63  }
0x65: {  	_ =	swait.ge [sflag:s10], $0x2000  }
0x66: {  	[sflag:s10] =	ssyncset.done $0x0  }
0x67: {  	s15 =	simm.s32 $0x600;
	[sflag:s10] =	ssyncadd.s32 $0xFFFFE000  }
0x68: {  	[tilespmem:s24], [sflag:$0x5] =	stream.indirect.gather [hbm4b:s3+s16], $0x40, s15, s16, $0xb8;
	[tilespmem:$0x16400] =	vst v63  }
0x69: {  	_ =	swait.ge [sflag:s25], $0x2000  }
0x6a: {  	s14 =	rddreg [dreg:$0xa];
	[sflag:s25] =	ssyncset.done $0x0  }
0x6b: {  	[sflag:s25] =	ssyncadd.s32 $0xFFFFE000;
	s5 =	sadd.s32 s4, s14  }
0x6c: {  	[hbm4b:s5+s26] =	stream.strided.scatter [tilespmem:s17], [sflag:$0x9], $0x2000, s16, s26, $0x38;
	[tilespmem:$0x16400] =	vst v63  }
0x6d: {  	_ =	swait.ge [sflag:s11], $0x2000  }
0x6e: {  	[sflag:s11] =	ssyncset.done $0x0  }
0x6f: {  	s15 =	simm.s32 $0x680;
	[sflag:s11] =	ssyncadd.s32 $0xFFFFE000  }
0x70: {  	[tilespmem:s29], [sflag:$0x6] =	stream.indirect.gather [hbm4b:s3+s16], $0x40, s15, s16, $0xb8;
	[tilespmem:$0x16400] =	vst v63  }
0x71: {  	_ =	swait.ge [sflag:s30], $0x2000  }
0x72: {  	s14 =	rddreg [dreg:$0x9];
	[sflag:s30] =	ssyncset.done $0x0  }
0x73: {  	[sflag:s30] =	ssyncadd.s32 $0xFFFFE000;
	s5 =	sadd.s32 s4, s14  }
0x74: {  	[hbm4b:s5+s26] =	stream.strided.scatter [tilespmem:s18], [sflag:$0xA], $0x2000, s16, s26, $0x38;
	[tilespmem:$0x16400] =	vst v63  }
0x75: {  	_ =	swait.ge [sflag:s12], $0x2000  }
0x76: {  	[sflag:s12] =	ssyncset.done $0x0  }
0x77: {  	s15 =	simm.s32 $0x700;
	[sflag:s12] =	ssyncadd.s32 $0xFFFFE000  }
0x78: {  	[tilespmem:s1], [sflag:$0x7] =	stream.indirect.gather [hbm4b:s3+s16], $0x40, s15, s16, $0xb8;
	[tilespmem:$0x16400] =	vst v63  }
0x79: {  	_ =	swait.ge [sflag:s0], $0x2000  }
0x7a: {  	s14 =	rddreg [dreg:$0x8];
	[sflag:s0] =	ssyncset.done $0x0  }
0x7b: {  	[sflag:s0] =	ssyncadd.s32 $0xFFFFE000;
	s5 =	sadd.s32 s4, s14  }
0x7c: {  	[hbm4b:s5+s26] =	stream.strided.scatter [tilespmem:s20], [sflag:$0xB], $0x2000, s16, s26, $0x38;
	[tilespmem:$0x16400] =	vst v63  }
0x7d: {  	_ =	swait.ge [sflag:s13], $0x2000  }
0x7e: {  	[sflag:s13] =	ssyncset.done $0x0  }
0x7f: {  	s15 =	simm.s32 $0x780;
	[sflag:s13] =	ssyncadd.s32 $0xFFFFE000  }
0x80: {  	[tilespmem:s21], [sflag:$0x8] =	stream.indirect.gather [hbm4b:s3+s16], $0x40, s15, s16, $0xb8;
	[tilespmem:$0x16400] =	vst v63  }
0x81: {  	_ =	swait.ge [sflag:s23], $0x2000  }
0x82: {  	s5 =	simm.s32 $0x1000;
	s14 =	rddreg [dreg:$0x7];
	[sflag:s23] =	ssyncset.done $0x0  }
0x83: {  	s15 =	sadd.s32 $0x4000, s4;
	[sflag:s23] =	ssyncadd.s32 $0xFFFFE000;
	s14 =	sadd.s32 s4, s14  }
.LBB2_2:
0x84: {  	[hbm4b:s14+s26] =	stream.strided.scatter [tilespmem:s22], [sflag:$0xC], $0x2000, s16, s26, $0x38;
	[tilespmem:$0x16400] =	vst v63  }
0x85: {  	s4 =	smov.u32 s5;
	_ =	swait.ge [sflag:s28], $0x2000  }
0x86: {  	s14 =	sshra.s32 s4, $0x2;
	[sflag:s28] =	ssyncset.done $0x0  }
0x87: {  	s4 =	sadd.s32 $0x400, s14;
	[sflag:s28] =	ssyncadd.s32 $0xFFFFE000  }
0x88: {  	[tilespmem:s17], [sflag:$0x1] =	stream.indirect.gather [hbm4b:s3+s16], $0x40, s4, s16, $0xb8;
	[tilespmem:$0x16400] =	vst v63  }
0x89: {  	_ =	swait.ge [sflag:s31], $0x2000  }
0x8a: {  	s4 =	rddreg [dreg:$0x6];
	[sflag:s31] =	ssyncset.done $0x0  }
0x8b: {  	[sflag:s31] =	ssyncadd.s32 $0xFFFFE000;
	s4 =	sadd.s32 s15, s4  }
0x8c: {  	[hbm4b:s4+s26] =	stream.strided.scatter [tilespmem:s24], [sflag:$0xD], $0x2000, s16, s26, $0x38;
	[tilespmem:$0x16400] =	vst v63  }
0x8d: {  	_ =	swait.ge [sflag:s19], $0x2000  }
0x8e: {  	[sflag:s19] =	ssyncset.done $0x0  }
0x8f: {  	s4 =	sadd.s32 $0x480, s14;
	[sflag:s19] =	ssyncadd.s32 $0xFFFFE000  }
0x90: {  	[tilespmem:s18], [sflag:$0x2] =	stream.indirect.gather [hbm4b:s3+s16], $0x40, s4, s16, $0xb8;
	[tilespmem:$0x16400] =	vst v63  }
0x91: {  	_ =	swait.ge [sflag:s2], $0x2000  }
0x92: {  	s4 =	rddreg [dreg:$0x5];
	[sflag:s2] =	ssyncset.done $0x0  }
0x93: {  	[sflag:s2] =	ssyncadd.s32 $0xFFFFE000;
	s4 =	sadd.s32 s15, s4  }
0x94: {  	[hbm4b:s4+s26] =	stream.strided.scatter [tilespmem:s29], [sflag:$0xE], $0x2000, s16, s26, $0x38;
	[tilespmem:$0x16400] =	vst v63  }
0x95: {  	_ =	swait.ge [sflag:s6], $0x2000  }
0x96: {  	[sflag:s6] =	ssyncset.done $0x0  }
0x97: {  	s4 =	sadd.s32 $0x500, s14;
	[sflag:s6] =	ssyncadd.s32 $0xFFFFE000  }
0x98: {  	[tilespmem:s20], [sflag:$0x3] =	stream.indirect.gather [hbm4b:s3+s16], $0x40, s4, s16, $0xb8;
	[tilespmem:$0x16400] =	vst v63  }
0x99: {  	_ =	swait.ge [sflag:s7], $0x2000  }
0x9a: {  	s4 =	rddreg [dreg:$0x4];
	[sflag:s7] =	ssyncset.done $0x0  }
0x9b: {  	[sflag:s7] =	ssyncadd.s32 $0xFFFFE000;
	s4 =	sadd.s32 s15, s4  }
0x9c: {  	[hbm4b:s4+s26] =	stream.strided.scatter [tilespmem:s1], [sflag:$0xF], $0x2000, s16, s26, $0x38;
	[tilespmem:$0x16400] =	vst v63  }
0x9d: {  	_ =	swait.ge [sflag:s8], $0x2000  }
0x9e: {  	[sflag:s8] =	ssyncset.done $0x0  }
0x9f: {  	s4 =	sadd.s32 $0x580, s14;
	[sflag:s8] =	ssyncadd.s32 $0xFFFFE000  }
0xa0: {  	[tilespmem:s22], [sflag:$0x4] =	stream.indirect.gather [hbm4b:s3+s16], $0x40, s4, s16, $0xb8;
	[tilespmem:$0x16400] =	vst v63  }
0xa1: {  	_ =	swait.ge [sflag:s9], $0x2000  }
0xa2: {  	s4 =	rddreg [dreg:$0x3];
	[sflag:s9] =	ssyncset.done $0x0  }
0xa3: {  	[sflag:s9] =	ssyncadd.s32 $0xFFFFE000;
	s4 =	sadd.s32 s15, s4  }
0xa4: {  	[hbm4b:s4+s26] =	stream.strided.scatter [tilespmem:s21], [sflag:$0x10], $0x2000, s16, s26, $0x38;
	[tilespmem:$0x16400] =	vst v63  }
0xa5: {  	_ =	swait.ge [sflag:s10], $0x2000  }
0xa6: {  	[sflag:s10] =	ssyncset.done $0x0  }
0xa7: {  	s4 =	sadd.s32 $0x600, s14;
	[sflag:s10] =	ssyncadd.s32 $0xFFFFE000  }
0xa8: {  	[tilespmem:s24], [sflag:$0x5] =	stream.indirect.gather [hbm4b:s3+s16], $0x40, s4, s16, $0xb8;
	[tilespmem:$0x16400] =	vst v63  }
0xa9: {  	_ =	swait.ge [sflag:s25], $0x2000  }
0xaa: {  	s4 =	rddreg [dreg:$0xa];
	[sflag:s25] =	ssyncset.done $0x0  }
0xab: {  	[sflag:s25] =	ssyncadd.s32 $0xFFFFE000;
	s4 =	sadd.s32 s15, s4  }
0xac: {  	[hbm4b:s4+s26] =	stream.strided.scatter [tilespmem:s17], [sflag:$0x9], $0x2000, s16, s26, $0x38;
	[tilespmem:$0x16400] =	vst v63  }
0xad: {  	_ =	swait.ge [sflag:s11], $0x2000  }
0xae: {  	[sflag:s11] =	ssyncset.done $0x0  }
0xaf: {  	s4 =	sadd.s32 $0x680, s14;
	[sflag:s11] =	ssyncadd.s32 $0xFFFFE000  }
0xb0: {  	[tilespmem:s29], [sflag:$0x6] =	stream.indirect.gather [hbm4b:s3+s16], $0x40, s4, s16, $0xb8;
	[tilespmem:$0x16400] =	vst v63  }
0xb1: {  	_ =	swait.ge [sflag:s30], $0x2000  }
0xb2: {  	s4 =	rddreg [dreg:$0x9];
	[sflag:s30] =	ssyncset.done $0x0  }
0xb3: {  	[sflag:s30] =	ssyncadd.s32 $0xFFFFE000;
	s4 =	sadd.s32 s15, s4  }
0xb4: {  	[hbm4b:s4+s26] =	stream.strided.scatter [tilespmem:s18], [sflag:$0xA], $0x2000, s16, s26, $0x38;
	[tilespmem:$0x16400] =	vst v63  }
0xb5: {  	_ =	swait.ge [sflag:s12], $0x2000  }
0xb6: {  	[sflag:s12] =	ssyncset.done $0x0  }
0xb7: {  	s4 =	sadd.s32 $0x700, s14;
	[sflag:s12] =	ssyncadd.s32 $0xFFFFE000  }
0xb8: {  	[tilespmem:s1], [sflag:$0x7] =	stream.indirect.gather [hbm4b:s3+s16], $0x40, s4, s16, $0xb8;
	[tilespmem:$0x16400] =	vst v63  }
0xb9: {  	_ =	swait.ge [sflag:s0], $0x2000  }
0xba: {  	s4 =	rddreg [dreg:$0x8];
	[sflag:s0] =	ssyncset.done $0x0  }
0xbb: {  	[sflag:s0] =	ssyncadd.s32 $0xFFFFE000;
	s4 =	sadd.s32 s15, s4  }
0xbc: {  	[hbm4b:s4+s26] =	stream.strided.scatter [tilespmem:s20], [sflag:$0xB], $0x2000, s16, s26, $0x38;
	[tilespmem:$0x16400] =	vst v63  }
0xbd: {  	_ =	swait.ge [sflag:s13], $0x2000  }
0xbe: {  	p0 =	sne.s32 s5, $0x17000;
	[sflag:s13] =	ssyncset.done $0x0  }
.Ltmp0:
0xbf: {  	s14 =	sadd.s32 $0x780, s14;
	[sflag:s13] =	ssyncadd.s32 $0xFFFFE000;
	(pc) =	sbr.rel @p0 .LBB2_2-.Ltmp0, $4  }
0xc0: {  	[tilespmem:s21], [sflag:$0x8] =	stream.indirect.gather [hbm4b:s3+s16], $0x40, s14, s16, $0xb8;
	[tilespmem:$0x16400] =	vst v63  }
0xc1: {  	_ =	swait.ge [sflag:s23], $0x2000  }
0xc2: {  	s5 =	sadd.s32 $0x1000, s5;
	[sflag:s23] =	ssyncset.done $0x0;
	s14 =	rddreg [dreg:$0x7]  }
0xc3: {  	[sflag:s23] =	ssyncadd.s32 $0xFFFFE000;
	s14 =	sadd.s32 s15, s14;
	s15 =	sadd.s32 $0x4000, s15  }
0xc4: {  	[hbm4b:s14+s26] =	stream.strided.scatter [tilespmem:s22], [sflag:$0xC], $0x2000, s16, s26, $0x38;
	[tilespmem:$0x16400] =	vst v63  }
0xc5: {  	_ =	swait.ge [sflag:s31], $0x2000  }
0xc6: {  	[sflag:s31] =	ssyncset.done $0x0  }
0xc7: {  	s4 =	rddreg [dreg:$0x11];
	[sflag:s31] =	ssyncadd.s32 $0xFFFFE000  }
0xc8: {  	[hbm4b:s4+s26] =	stream.strided.scatter [tilespmem:s24], [sflag:$0xD], $0x2000, s16, s26, $0x38;
	[tilespmem:$0x16400] =	vst v63  }
0xc9: {  	_ =	swait.ge [sflag:s2], $0x2000  }
0xca: {  	[sflag:s2] =	ssyncset.done $0x0  }
0xcb: {  	s15 =	rddreg [dreg:$0x12];
	[sflag:s2] =	ssyncadd.s32 $0xFFFFE000  }
0xcc: {  	[hbm4b:s15+s26] =	stream.strided.scatter [tilespmem:s29], [sflag:$0xE], $0x2000, s16, s26, $0x38;
	[tilespmem:$0x16400] =	vst v63  }
0xcd: {  	_ =	swait.ge [sflag:s7], $0x2000  }
0xce: {  	[sflag:s7] =	ssyncset.done $0x0  }
0xcf: {  	s5 =	rddreg [dreg:$0x13];
	[sflag:s7] =	ssyncadd.s32 $0xFFFFE000  }
0xd0: {  	[hbm4b:s5+s26] =	stream.strided.scatter [tilespmem:s1], [sflag:$0xF], $0x2000, s16, s26, $0x38;
	[tilespmem:$0x16400] =	vst v63  }
0xd1: {  	_ =	swait.ge [sflag:s9], $0x2000  }
0xd2: {  	[sflag:s9] =	ssyncset.done $0x0  }
0xd3: {  	s14 =	rddreg [dreg:$0x14];
	[sflag:s9] =	ssyncadd.s32 $0xFFFFE000  }
0xd4: {  	[hbm4b:s14+s26] =	stream.strided.scatter [tilespmem:s21], [sflag:$0x10], $0x2000, s16, s26, $0x38;
	[tilespmem:$0x16400] =	vst v63  }
0xd5: {  	_ =	swait.ge [sflag:s28], $0x2000  }
0xd6: {  	[sflag:s28] =	ssyncset.done $0x0  }
0xd7: {  	[sflag:s28] =	ssyncadd.s32 $0xFFFFE000  }
0xd8: {  	_ =	swait.ge [sflag:s19], $0x2000  }
0xd9: {  	[sflag:s19] =	ssyncset.done $0x0  }
0xda: {  	[sflag:s19] =	ssyncadd.s32 $0xFFFFE000  }
0xdb: {  	_ =	swait.ge [sflag:s6], $0x2000  }
0xdc: {  	[sflag:s6] =	ssyncset.done $0x0  }
0xdd: {  	[sflag:s6] =	ssyncadd.s32 $0xFFFFE000  }
0xde: {  	_ =	swait.ge [sflag:s8], $0x2000  }
0xdf: {  	[sflag:s8] =	ssyncset.done $0x0  }
0xe0: {  	[sflag:s8] =	ssyncadd.s32 $0xFFFFE000  }
0xe1: {  	_ =	swait.ge [sflag:s10], $0x2000  }
0xe2: {  	[sflag:s10] =	ssyncset.done $0x0  }
0xe3: {  	[sflag:s10] =	ssyncadd.s32 $0xFFFFE000  }
0xe4: {  	_ =	swait.ge [sflag:s11], $0x2000  }
0xe5: {  	[sflag:s11] =	ssyncset.done $0x0  }
0xe6: {  	[sflag:s11] =	ssyncadd.s32 $0xFFFFE000  }
0xe7: {  	_ =	swait.ge [sflag:s12], $0x2000  }
0xe8: {  	[sflag:s12] =	ssyncset.done $0x0  }
0xe9: {  	[sflag:s12] =	ssyncadd.s32 $0xFFFFE000  }
0xea: {  	_ =	swait.ge [sflag:s13], $0x2000  }
0xeb: {  	s5 =	rddreg [dreg:$0x16]  }
0xec: {  	s15 =	rddreg [dreg:$0x15];
	s5 =	sadd.s32 $0x1, s5  }
0xed: {  	p0 =	sne.s32 s5, s15  }
.Ltmp1:
0xee: {  	_ = 	snop;
	(pc) =	sbr.rel @p0 .LBB2_1-.Ltmp1, $3  }
0xef: {  	_ =	sdelay $0x1  }
0xf0: {  	[sflag:s13] =	ssyncset.done $0x0  }
0xf1: {  	[sflag:s13] =	ssyncadd.s32 $0xFFFFE000  }
0xf2: {  	_ =	sfence.sel $0x180000  }
0xf3: {  	[bflag:$0x0] =	sbarrier.arrive $0xFFFF  }
0xf4: {  	_ =	strace $0x9000004A  }
0xf5: {  	s0 =	stileid.u32;
	[bflag:$0x2] =	sbarrier.arrive $0xFFFF  }
0xf6: {  	p0 =	sne.s32 s0, $0x0;
	s0 =	rddreg [dreg:$0x2]  }
0xf7: {  	s0 =	sadd.s32 @!p0 $0x100000, s0  }
0xf8: {  	[sflag:s0] =	ssyncadd.tile.s32 @!p0 $0x1;
	_ =	shalt  }
.Lfunc_end2:
_tile_overlayer_lowered:
.L_overlay_start_2:
0xf9: {  	(tag) =	ssettag $0x2  }
0xfa: {  	s0 =	rddreg [dreg:$0x0];
	s2 =	stileid.u32  }
0xfb: {  	s1 =	rddreg [dreg:$0x1];
	p0 =	sne.s32 s2, $0x0  }
0xfc: {  	s3 =	rddreg [dreg:$0x2];
	[bflag:$0x3] =	sbarrier.arrive $0xFFFF;
	s2 =	simm.s32 @!p0 $0x1C11  }
0xfd: {  	[timem:s3], [sflag:s2] =	dma.local @!p0 [hbm:s0], s1  }
0xfe: {  	s0 =	simm.s32 @!p0 $0x11  }
0xff: {  	_ =	swait.ge @!p0 [sflag:s0], s1  }
0x100: {  	s1 =	ssub.s32 @!p0 $0x0, s1;
	[sflag:s0] =	ssyncset.done @!p0 $0x0  }
0x101: {  	[sflag:s0] =	ssyncadd.s32 @!p0 s1  }
0x102: {  	[bflag:$0x3] =	sbarrier.arrive $0xFFFF  }
0x103: {  	_ =	shalt  }

// kernel: sparse-core-data-format-call.1.cloned.1.call-start
scs
called_computation.1_lowered:
.L_overlay_start_0:
0x0: {  	s2 =	sld [smem:$0x3FD9]  }
0x1: {  	s3 =	sld [smem:$0x3FFE];
	_ =	sdelay $0x1  }
0x2: {  	s1 =	srdreg.scid  }
0x3: {  	s0 =	sand.u32 $0x1, s1  }
0x4: {  	s18 =	sshll.u32 s0, $0xA;
	s2 =	sadd.s32 s3, s2  }
0x5: {  	s2 =	sadd.s32 s2, s18  }
0x6: {  	[smem:$0x3FC6] =	sst s2  }
0x7: {  	_ = 	snop  }
0x8: {  	s2 =	sld [smem:$0x3FC8];
	(tm) =	ssettm $0x1  }
0x9: {  	s19 =	sld [smem:$0x3FFB];
	_ =	sdelay $0x3  }
0xa: {  	_ =	strace s19  }
0xb: {  	s3 =	sld [smem:$0x3FFC];
	_ =	sdelay $0x3  }
0xc: {  	_ =	strace s3  }
0xd: {  	s3 =	sld [smem:$0x3FFD];
	_ =	sdelay $0x3  }
0xe: {  	_ =	strace s3  }
0xf: {  	_ =	strace $0x8FFFFFFF  }
0x10: {  	s20 =	sld [smem:$0x3FDB];
	_ =	sdelay $0x1  }
0x11: {  	s4 =	simm.s32 $_scs_section_size  }
0x12: {  	s5 =	simm.s32 $_size__tile_overlayer_lowered;
	s6 =	simm.s32 $_tile_overlayer_lowered  }
0x13: {  	s23 =	simm.s32 $0x1BFF;
	s22 =	sshll.u32 s6, $0x1;
	s3 =	sadd.s32 s4, s20  }
0x14: {  	s7 =	simm.s32 $0x0;
	s21 =	sshll.u32 s5, $0x1;
	s5 =	sadd.s32 s22, s3  }
0x15: {  	[timem:s7], [sflag:s23] =	dma.local [hbm:s5], s21  }
0x16: {  	_ =	swait.ge [sflag:s23], s21  }
0x17: {  	s4 =	ssub.s32 $0x0, s21;
	[sflag:s23] =	ssyncset.done $0x0  }
0x18: {  	[sflag:s23] =	ssyncadd.s32 s4;
	_ =	sdelay $0x1  }
0x19: {  	s24 =	simm.s32 $0x1B8B  }
0x1a: {  	_ =	swait.ge [sflag:s24], $0x1  }
0x1b: {  	[sflag:s24] =	ssyncset.done $0x0  }
0x1c: {  	s26 =	simm.s32 $0x1B8E;
	s25 =	sld [smem:$0x3FFE];
	[sflag:s24] =	ssyncadd.s32 $0xFFFFFFFF  }
0x1d: {  	s27 =	simm.s32 $execute0_lowered;
	[smem:$0x3FD2] =	sst s26  }
0x1e: {  	s5 =	sshll.u32 s27, $0x1;
	_ =	strace $0x80000046;
	[dreg:$0x1] =	wrdreg $0xFFFFFFFF  }
0x1f: {  	s28 =	simm.s32 $_size_execute0_lowered;
	s3 =	sadd.s32 s3, s5;
	[dreg:$0x0] =	wrdreg $0x0  }
0x20: {  	s5 =	sshll.u32 s28, $0x1;
	[dreg:$0x2] =	wrdreg s3  }
0x21: {  	[dreg:$0x3] =	wrdreg s5  }
0x22: {  	[dreg:$0x4] =	wrdreg $0xC0  }
0x23: {  	_ =	task [dreg:s7], $0x5FFFF  }
0x24: {  	[dreg:$0x1] =	wrdreg $0xFFFFFFFF  }
0x25: {  	[dreg:$0x0] =	wrdreg $0x60  }
0x26: {  	[dreg:$0x2] =	wrdreg s2  }
0x27: {  	[dreg:$0x3] =	wrdreg s25  }
0x28: {  	[dreg:$0x4] =	wrdreg $0x9  }
0x29: {  	_ =	task.clear_ibuf [dreg:s7], $0x5FFFF;
	_ =	strace $0x90000046  }
0x2a: {  	s29 =	simm.s32 $0x9;
	_ =	strace $0x80000048  }
0x2b: {  	_ =	swait.ge [sflag:s29], $0x1  }
0x2c: {  	[sflag:s29] =	ssyncadd.s32 $0xFFFFFFFF  }
0x2d: {  	_ =	strace $0x90000048  }
0x2e: {  	_ =	sfence  }
0x2f: {  	s30 =	sld [smem:$0x0];
	_ =	sdelay $0x2  }
0x30: {  	s31 =	sshll.u32 s1, $0xD;
	s1 =	sshrl.u32 s1, $0x2  }
0x31: {  	s3 =	sand.u32 $0x4000, s31;
	s1 =	sadd.s32 s1, s30  }
0x32: {  	s0 =	sor.u32 s3, s0;
	s1 =	sshll.u32 s1, $0x11  }
0x33: {  	s0 =	sor.u32 s1, s0  }
0x34: {  	s0 =	sadd.s32 $0x8F2B, s0  }
0x35: {  	[sflag:s0] =	ssyncadd.remote.s32 $0x1  }
0x36: {  	_ =	sfence.sel $0xFFFF  }
0x37: {  	[dreg:$0x0] =	wrdreg $0xFFFFFFFF;
	(pc) =	sbr.abs _section_cstart, $3  }
0x38: {  	[dreg:$0x1] =	wrdreg $0xFFFFFFFF  }
0x39: {  	_ =	task.clear_ibuf [dreg:s7], $0x2FFFF;
	_ =	strace $0x9FFFFFFF  }
0x3a: {  	(tm) =	ssettm $0x7FFFFFFF  }
0x3b: {  	_ =	shalt  }
tec
execute0_lowered:
.L_overlay_start_1:
0x0: {  	(tag) =	ssettag $0x1  }
0x1: {  	s0 =	srdreg.scid;
	s2 =	rddreg [dreg:$0x0]  }
0x2: {  	s5 =	rddreg [dreg:$0x1];
	s1 =	stileid.u32  }
0x3: {  	s4 =	simm.s32 $0x1;
	s6 =	simm.s32 $0x2;
	s15 =	simm.s32 $0x0  }
0x4: {  	p0 =	por $0x0, $0x0;
	s8 =	simm.s32 $0x80;
	s0 =	sshll.u32 s0, $0x4  }
0x5: {  	s14 =	simm.s32 $0x0;
	s9 =	simm.s32 $0x0;
	s3 =	sand.u32 $0x10, s0  }
.Ltmp0:
0x6: {  	s10 =	simm.s32 $0x0;
	s3 =	sor.u32 s1, s3;
	(pc) =	sbr.rel .LBB1_1-.Ltmp0, $4  }
0x7: {  	s0 =	rddreg [dreg:$0x2];
	_ =	strace $0x80000047;
	s3 =	sshll.u32 s3, $0x7  }
0x8: {  	s12 =	simm.s32 $0x0;
	[sflag:s4] =	ssyncpa.u1 $0x0;
	s7 =	ssub.s32 $0xF4200, s3  }
0x9: {  	s13 =	simm.s32 $0x0;
	[sflag:s6] =	ssyncpa.u1 $0x0;
	s6 =	sshrl.u32 s7, $0xC  }
0xa: {  	s5 =	sadd.s32 $0xE00, s5;
	s11 =	smov.u32 s3;
	s7 =	sadd.s32 $0x2, s6  }
.LBB1_5:
0xb: {  	p1 =	slt.u32 s13, $0x2  }
0xc: {  	s17 =	smov.u32 s15;
	p2 =	sgt.s32 @!p1 s15, $0xF41C0;
	s16 =	sshra.s32 @!p1 s15, $0x1F  }
0xd: {  	p3 =	sgt.s32 @!p1 s14, $0x40;
	s18 =	sshra.s32 @!p1 s14, $0x1F;
	p2 =	por !p2, p1  }
0xe: {  	s15 =	sand.u32 @!p1 s16, s15;
	p3 =	por !p3, p1;
	s16 =	smov.u32 s14  }
0xf: {  	s14 =	sand.u32 @!p1 s18, s14;
	s17 =	simm.s32 @p2 $0xF41C0;
	s16 =	simm.s32 @p3 $0x40  }
0x10: {  	s15 =	ssub.s32 @!p1 s17, s15;
	s14 =	ssub.s32 @!p1 s16, s14  }
0x11: {  	s18 =	smov.u32 s12;
	s16 =	sadd.s32 @!p1 $0xFFF0BE40, s15;
	s17 =	sadd.s32 @!p1 $0xFFFFFFC0, s14  }
0x12: {  	s15 =	ssub.s32 @!p1 $0xF4240, s15;
	p2 =	sgt.s32 @!p1 s16, $0x7F;
	p3 =	sgt.s32 @!p1 s17, $0x3F  }
0x13: {  	s14 =	ssub.s32 @!p1 $0x80, s14;
	p2 =	por !p2, p1;
	p3 =	por !p3, p1  }
0x14: {  	s16 =	sadd.s32 $0x1000, s11;
	s15 =	simm.s32 @!p2 $0x0;
	s14 =	simm.s32 @!p3 $0x0  }
0x15: {  	p2 =	sgt.s32 s16, $0xF423F;
	s14 =	smul.u32 @!p1 s14, s15;
	s15 =	sadd.s32 $0x40, s12  }
0x16: {  	s18 =	smov.u32 @p2 s15  }
0x17: {  	s16 =	smov.u32 @p2 s3;
	p2 =	sgt.s32 s18, $0x3F  }
0x18: {  	s18 =	simm.s32 @p2 $0x0;
	p2 =	sne.s32 s13, s7  }
.Ltmp1:
0x19: {  	p0 =	por !p0, !p0;
	s17 =	simm.s32 @!p1 $0x2;
	(pc) =	sbr.rel @!p2 .LBB1_6-.Ltmp1, $4  }
0x1a: {  	s15 =	smov.u32 s9;
	s9 =	smov.u32 s11;
	s14 =	sand.u32 @!p1 $0x3FFFFFFF, s14  }
0x1b: {  	s11 =	smov.u32 s16;
	_ =	swait.ge @!p1 [sflag:s17], s14;
	s19 =	ssub.s32 @!p1 $0x0, s14  }
0x1c: {  	s14 =	smov.u32 s10;
	s13 =	sadd.s32 $0x1, s13;
	[sflag:s17] =	ssyncset.done @!p1 $0x0  }
0x1d: {  	s10 =	smov.u32 s12;
	s12 =	smov.u32 s18;
	[sflag:s17] =	ssyncadd.s32 @!p1 s19  }
.LBB1_1:
0x1e: {  	p1 =	sgt.u32 s13, s6  }
0x1f: {  	s16 =	sshrl.u32 @!p1 s12, $0x3  }
0x20: {  	s17 =	sshll.u32 @!p1 s11, $0x3;
	s16 =	smul.u32 @!p1 $0x7A1400, s16  }
0x21: {  	s18 =	sshll.u32 @!p1 s12, $0x7;
	s17 =	sand.u32 @!p1 $0xFFFFFC00, s17  }
0x22: {  	s16 =	sadd.s32 @!p1 s16, s17;
	s17 =	sand.u32 @!p1 $0x380, s18  }
0x23: {  	s18 =	sand.u32 @!p1 $0x7F, s11;
	s16 =	sor.u32 @!p1 s17, s16  }
0x24: {  	s17 =	sor.u32 @!p1 s18, s16  }
0x25: {  	s18 =	smulhi.u32 @!p1 $0x218D6287, s17;
	_ =	sdelay $0x1  }
0x26: {  	s16 =	smulhi.u32 @!p1 $0x218D6287, s16;
	s18 =	sshrl.u32 @!p1 s18, $0x11  }
0x27: {  	s18 =	smul.u32 @!p1 $0xF4280, s18  }
0x28: {  	s19 =	sxor.u32 @!p1 $0xFFFFFFFF, s13;
	s16 =	sshrl.u32 @!p1 s16, $0x11  }
0x29: {  	s19 =	sshll.u32 @!p1 s19, $0xD;
	s16 =	sand.u32 @!p1 $0x3F, s16;
	s17 =	ssub.s32 @!p1 s17, s18  }
0x2a: {  	s16 =	smul.u32 @!p1 $0x1E850, s16;
	s18 =	sshrl.u32 @!p1 s17, $0x3;
	s17 =	sand.u32 @!p1 $0x7, s17  }
0x2b: {  	s19 =	sand.u32 @!p1 $0x2000, s19;
	s18 =	sadd.s32 @!p1 s2, s18;
	s17 =	sshll.u32 @!p1 s17, $0x12  }
0x2c: {  	s16 =	sadd.s32 @!p1 s16, s18;
	s17 =	sor.u32 @!p1 $0x400, s17;
	s18 =	simm.s32 @!p1 $0x7A1400  }
0x2d: {  	[tilespmem:s19], [sflag:$0x1] =	stream.strided.gather @!p1 [hbm4b:s16+s17], $0x2000, s18, s17, $0x38;
	[tilespmem:$0x8100] =	vst v63  }
0x2e: {  	p1 =	seq.s32 s13, $0x0  }
0x2f: {  	p2 =	sge.u32 @!p1 s13, s7  }
0x30: {  	p1 =	por p1, p2  }
.Ltmp2:
0x31: {  	_ = 	snop;
	(pc) =	sbr.rel @p1 .LBB1_5-.Ltmp2, $1  }
0x32: {  	_ =	sdelay $0x3  }
0x33: {  	s16 =	simm.s32 $0x1  }
0x34: {  	_ =	swait.ge [sflag:s4], $0x2000;
	s16 =	simm.s32 @!p0 $0x0  }
0x35: {  	[sflag:s4] =	ssyncset.done $0x0;
	s17 =	sshll.u32 s16, $0xD  }
0x36: {  	[sflag:s4] =	ssyncadd.s32 $0xFFFFE000;
	s17 =	sor.u32 $0x40, s17  }
0x37: {  	s16 =	smul.u32 $0x8200, s16;
	v0 =	vld [tilespmem:s17+$0x30]  }
0x38: {  	v1 =	vld [tilespmem:s17+$0xFFFFFFD0]  }
0x39: {  	s16 =	sshrl.u32 s16, $0x2;
	v5 =	vld [tilespmem:s17+$0xFFFFFFE0]  }
0x3a: {  	v6 =	vld [tilespmem:s17+$0xFFFFFFF0];
	s19 =	sor.u32 $0x4000, s16  }
0x3b: {  	s31 =	sand.u32 $0x1, s13;
	v4 =	vld [tilespmem:s17+$0x0];
	s18 =	sadd.s32 $0x0, s19  }
0x3c: {  	v3 =	vld [tilespmem:s17+$0x10];
	s16 =	smul.u32 $0x8200, s31;
	[tilespmem:s18+$0x1C70 ss:$0x41] =	vst.msk $0xffff, v0  }
0x3d: {  	v2 =	vld [tilespmem:s17+$0x20];
	[tilespmem:s18+$0x410 ss:$0x41] =	vst.msk $0xffff, v1  }
0x3e: {  	s16 =	sshrl.u32 s16, $0x2;
	v1 =	vld [tilespmem:s17+$0xFFFFFFC0];
	[tilespmem:s18+$0x820 ss:$0x41] =	vst.msk $0xffff, v5;
	s17 =	sadd.s32 $0x80, s17  }
0x3f: {  	s20 =	simm.s32 $0x4;
	s21 =	simm.s32 $0x8;
	s16 =	sor.u32 $0x4000, s16;
	[tilespmem:s18+$0xC30 ss:$0x41] =	vst.msk $0xffff, v6;
	v0 =	vld [tilespmem:s17+$0x30]  }
.LBB1_3:
0x40: {  	p1 =	sne.s32 s21, $0xFC;
	v5 =	vld [tilespmem:s17+$0xFFFFFFD0];
	[tilespmem:s18+$0x1040 ss:$0x41] =	vst.msk $0xffff, v4  }
0x41: {  	v6 =	vld [tilespmem:s17+$0xFFFFFFE0];
	[tilespmem:s18+$0x1450 ss:$0x41] =	vst.msk $0xffff, v3  }
0x42: {  	s22 =	sshra.s32 s20, $0x2;
	s20 =	smov.u32 s21;
	v7 =	vld [tilespmem:s17+$0xFFFFFFF0];
	[tilespmem:s18+$0x1860 ss:$0x41] =	vst.msk $0xffff, v2  }
.Ltmp3:
0x43: {  	v4 =	vld [tilespmem:s17+$0x0];
	[tilespmem:s18+$0x0 ss:$0x41] =	vst.msk $0xffff, v1;
	s18 =	sadd.s32 s22, s19;
	(pc) =	sbr.rel @p1 .LBB1_3-.Ltmp3, $4  }
0x44: {  	v3 =	vld [tilespmem:s17+$0x10];
	[tilespmem:s18+$0x1C70 ss:$0x41] =	vst.msk $0xffff, v0  }
0x45: {  	[tilespmem:s18+$0x410 ss:$0x41] =	vst.msk $0xffff, v5;
	v2 =	vld [tilespmem:s17+$0x20]  }
0x46: {  	v1 =	vld [tilespmem:s17+$0xFFFFFFC0];
	[tilespmem:s18+$0x820 ss:$0x41] =	vst.msk $0xffff, v6;
	s17 =	sadd.s32 $0x80, s17  }
0x47: {  	s21 =	sadd.s32 $0x4, s21;
	v0 =	vld [tilespmem:s17+$0x30];
	[tilespmem:s18+$0xC30 ss:$0x41] =	vst.msk $0xffff, v7  }
0x48: {  	s21 =	sshll.u32 s9, $0x7;
	s22 =	sshll.u32 s10, $0x3;
	s20 =	sshra.s32 s20, $0x2  }
0x49: {  	p1 =	sgt.s32 s9, $0xF41C0;
	s30 =	sshra.s32 s9, $0x1F;
	s25 =	sshra.s32 s10, $0x1F  }
0x4a: {  	v5 =	vld [tilespmem:s17+$0xFFFFFFD0];
	s28 =	sshrl.u32 s10, $0x3;
	s23 =	sand.u32 $0xFFFFFC00, s21;
	s22 =	sand.u32 $0xFFFFFC00, s22  }
0x4b: {  	[tilespmem:s18+$0x1040 ss:$0x41] =	vst.msk $0xffff, v4;
	v58 =	vld [tilespmem:s17+$0xFFFFFFE0];
	s21 =	sand.u32 $0x380, s21;
	s19 =	sadd.s32 s20, s19;
	s22 =	sadd.s32 s22, s23  }
0x4c: {  	v59 =	vld [tilespmem:s17+$0xFFFFFFF0];
	[tilespmem:s18+$0x1450 ss:$0x41] =	vst.msk $0xffff, v3;
	s29 =	sor.u32 s21, s22;
	s21 =	smov.u32 s9;
	s22 =	sand.u32 s30, s9  }
0x4d: {  	v60 =	vld [tilespmem:s17+$0x0];
	[tilespmem:s18+$0x1860 ss:$0x41] =	vst.msk $0xffff, v2;
	s30 =	sand.u32 $0x7, s10;
	s20 =	sshrl.u32 s29, $0x7;
	s21 =	simm.s32 @!p1 $0xF41C0  }
0x4e: {  	v61 =	vld [tilespmem:s17+$0x10];
	[tilespmem:s18+$0x0 ss:$0x41] =	vst.msk $0xffff, v1;
	p1 =	sgt.s32 s10, $0x40;
	s24 =	ssub.s32 s21, s22;
	s21 =	smov.u32 s10  }
0x4f: {  	v62 =	vld [tilespmem:s17+$0x20];
	[tilespmem:s19+$0x1C70 ss:$0x41] =	vst.msk $0xffff, v0;
	s31 =	smulhi.u32 $0x218DEF5, s20;
	s22 =	sand.u32 s25, s10;
	s21 =	simm.s32 @!p1 $0x40  }
0x50: {  	v63 =	vld [tilespmem:s17+$0xFFFFFFC0];
	[tilespmem:s19+$0x410 ss:$0x41] =	vst.msk $0xffff, v5;
	s26 =	sadd.s32 $0xFFF0BE40, s24;
	s17 =	ssub.s32 $0xF4240, s24;
	s21 =	ssub.s32 s21, s22  }
0x51: {  	[tilespmem:s19+$0x820 ss:$0x41] =	vst.msk $0xffff, v58;
	s23 =	sshrl.u32 s31, $0xD;
	p1 =	sgt.s32 s26, $0x7F;
	s27 =	sadd.s32 $0xFFFFFFC0, s21  }
0x52: {  	[tilespmem:s19+$0xC30 ss:$0x41] =	vst.msk $0xffff, v59;
	s23 =	smul.u32 $0xF4240, s23;
	s18 =	ssub.s32 $0x80, s21;
	p2 =	sgt.s32 s27, $0x3F  }
.Ltmp4:
0x53: {  	[tilespmem:s19+$0x1040 ss:$0x41] =	vst.msk $0xffff, v60;
	s17 =	simm.s32 @p1 $0x0;
	s18 =	simm.s32 @p2 $0x0;
	(pc) =	sbr.rel .LBB1_5-.Ltmp4, $4  }
0x54: {  	s29 =	sand.u32 $0xF, s28;
	[tilespmem:s19+$0x1450 ss:$0x41] =	vst.msk $0xffff, v61;
	s20 =	ssub.s32 s20, s23;
	s17 =	smul.u32 s18, s17  }
0x55: {  	[tilespmem:s19+$0x1860 ss:$0x41] =	vst.msk $0xffff, v62;
	s21 =	sshll.u32 s30, $0x12;
	s20 =	sshll.u32 s20, $0x4;
	s18 =	sadd.s32 s5, s29  }
0x56: {  	[tilespmem:s19+$0x0 ss:$0x41] =	vst.msk $0xffff, v63;
	s31 =	sor.u32 $0x40, s21;
	s18 =	sadd.s32 s20, s18;
	s17 =	sand.u32 $0x3FFFFFFF, s17  }
0x57: {  	[hbm4b:s18+s31] =	stream.strided.scatter [tilespmem:s16], [sflag:$0x2], s17, s8, s31, $0x18;
	[tilespmem:$0x8100] =	vst v63  }
.LBB1_6:
0x58: {  	_ =	sfence.sel $0x180000  }
0x59: {  	s2 =	simm.s32 $0x1;
	[bflag:$0x0] =	sbarrier.arrive $0xFFFF  }
0x5a: {  	s31 =	simm.s32 $0x2;
	[sflag:s2] =	ssyncpa.u1 $0x1  }
0x5b: {  	[sflag:s31] =	ssyncpa.u1 $0x1  }
0x5c: {  	p0 =	sne.s32 s1, $0x0;
	_ =	strace $0x90000047  }
0x5d: {  	s0 =	sadd.s32 @!p0 $0x100000, s0;
	[bflag:$0x2] =	sbarrier.arrive $0xFFFF  }
0x5e: {  	[sflag:s0] =	ssyncadd.tile.s32 @!p0 $0x1;
	_ =	shalt  }
.Lfunc_end1:
_tile_overlayer_lowered:
.L_overlay_start_2:
0x5f: {  	(tag) =	ssettag $0x2  }
0x60: {  	s0 =	rddreg [dreg:$0x0];
	s2 =	stileid.u32  }
0x61: {  	s1 =	rddreg [dreg:$0x1];
	p0 =	sne.s32 s2, $0x0  }
0x62: {  	s3 =	rddreg [dreg:$0x2];
	[bflag:$0x3] =	sbarrier.arrive $0xFFFF;
	s2 =	simm.s32 @!p0 $0x1C01  }
0x63: {  	[timem:s3], [sflag:s2] =	dma.local @!p0 [hbm:s0], s1  }
0x64: {  	s0 =	simm.s32 @!p0 $0x1  }
0x65: {  	_ =	swait.ge @!p0 [sflag:s0], s1  }
0x66: {  	s1 =	ssub.s32 @!p0 $0x0, s1;
	[sflag:s0] =	ssyncset.done @!p0 $0x0  }
0x67: {  	[sflag:s0] =	ssyncadd.s32 @!p0 s1  }
0x68: {  	[bflag:$0x3] =	sbarrier.arrive $0xFFFF  }
0x69: {  	_ =	shalt  }

// kernel: sparse-core-data-format-call.cloned.1.call-start
scs
called_computation_lowered:
.L_overlay_start_0:
0x0: {  	s2 =	sld [smem:$0x3FD9]  }
0x1: {  	s3 =	sld [smem:$0x3FFE];
	_ =	sdelay $0x1  }
0x2: {  	s1 =	srdreg.scid  }
0x3: {  	s0 =	sand.u32 $0x1, s1  }
0x4: {  	s18 =	sshll.u32 s0, $0xA;
	s2 =	sadd.s32 s3, s2  }
0x5: {  	s2 =	sadd.s32 s2, s18  }
0x6: {  	[smem:$0x3FC6] =	sst s2  }
0x7: {  	_ = 	snop  }
0x8: {  	s2 =	sld [smem:$0x3FD0];
	(tm) =	ssettm $0x1  }
0x9: {  	s19 =	sld [smem:$0x3FFB];
	_ =	sdelay $0x3  }
0xa: {  	_ =	strace s19  }
0xb: {  	s3 =	sld [smem:$0x3FFC];
	_ =	sdelay $0x3  }
0xc: {  	_ =	strace s3  }
0xd: {  	s3 =	sld [smem:$0x3FFD];
	_ =	sdelay $0x3  }
0xe: {  	_ =	strace s3  }
0xf: {  	_ =	strace $0x8FFFFFFF  }
0x10: {  	s20 =	sld [smem:$0x3FDB];
	_ =	sdelay $0x1  }
0x11: {  	s4 =	simm.s32 $_scs_section_size  }
0x12: {  	s5 =	simm.s32 $_size__tile_overlayer_lowered;
	s6 =	simm.s32 $_tile_overlayer_lowered  }
0x13: {  	s23 =	simm.s32 $0x1BFF;
	s22 =	sshll.u32 s6, $0x1;
	s3 =	sadd.s32 s4, s20  }
0x14: {  	s7 =	simm.s32 $0x0;
	s21 =	sshll.u32 s5, $0x1;
	s5 =	sadd.s32 s22, s3  }
0x15: {  	[timem:s7], [sflag:s23] =	dma.local [hbm:s5], s21  }
0x16: {  	_ =	swait.ge [sflag:s23], s21  }
0x17: {  	s4 =	ssub.s32 $0x0, s21;
	[sflag:s23] =	ssyncset.done $0x0  }
0x18: {  	[sflag:s23] =	ssyncadd.s32 s4;
	_ =	sdelay $0x1  }
0x19: {  	s24 =	simm.s32 $0x1B8B  }
0x1a: {  	_ =	swait.ge [sflag:s24], $0x1  }
0x1b: {  	[sflag:s24] =	ssyncset.done $0x0  }
0x1c: {  	s26 =	simm.s32 $0x1B8E;
	s25 =	sld [smem:$0x3FFE];
	[sflag:s24] =	ssyncadd.s32 $0xFFFFFFFF  }
0x1d: {  	s27 =	simm.s32 $execute0_lowered;
	[smem:$0x3FD2] =	sst s26  }
0x1e: {  	s5 =	sshll.u32 s27, $0x1;
	_ =	strace $0x8000004C;
	[dreg:$0x1] =	wrdreg $0xFFFFFFFF  }
0x1f: {  	s28 =	simm.s32 $_size_execute0_lowered;
	s3 =	sadd.s32 s3, s5;
	[dreg:$0x0] =	wrdreg $0x0  }
0x20: {  	s5 =	sshll.u32 s28, $0x1;
	[dreg:$0x2] =	wrdreg s3  }
0x21: {  	[dreg:$0x3] =	wrdreg s5  }
0x22: {  	[dreg:$0x4] =	wrdreg $0xC0  }
0x23: {  	_ =	task [dreg:s7], $0x5FFFF  }
0x24: {  	[dreg:$0x1] =	wrdreg $0xFFFFFFFF  }
0x25: {  	[dreg:$0x0] =	wrdreg $0x60  }
0x26: {  	[dreg:$0x2] =	wrdreg s25  }
0x27: {  	[dreg:$0x3] =	wrdreg s2  }
0x28: {  	[dreg:$0x4] =	wrdreg $0x9  }
0x29: {  	_ =	task.clear_ibuf [dreg:s7], $0x5FFFF;
	_ =	strace $0x9000004C  }
0x2a: {  	s29 =	simm.s32 $0x9;
	_ =	strace $0x8000004E  }
0x2b: {  	_ =	swait.ge [sflag:s29], $0x1  }
0x2c: {  	[sflag:s29] =	ssyncadd.s32 $0xFFFFFFFF  }
0x2d: {  	_ =	strace $0x9000004E  }
0x2e: {  	_ =	sfence  }
0x2f: {  	s30 =	sld [smem:$0x0];
	_ =	sdelay $0x2  }
0x30: {  	s31 =	sshll.u32 s1, $0xD;
	s1 =	sshrl.u32 s1, $0x2  }
0x31: {  	s3 =	sand.u32 $0x4000, s31;
	s1 =	sadd.s32 s1, s30  }
0x32: {  	s0 =	sor.u32 s3, s0;
	s1 =	sshll.u32 s1, $0x11  }
0x33: {  	s0 =	sor.u32 s1, s0  }
0x34: {  	s0 =	sadd.s32 $0x8F2B, s0  }
0x35: {  	[sflag:s0] =	ssyncadd.remote.s32 $0x1  }
0x36: {  	_ =	sfence.sel $0xFFFF  }
0x37: {  	[dreg:$0x0] =	wrdreg $0xFFFFFFFF;
	(pc) =	sbr.abs _section_cstart, $3  }
0x38: {  	[dreg:$0x1] =	wrdreg $0xFFFFFFFF  }
0x39: {  	_ =	task.clear_ibuf [dreg:s7], $0x2FFFF;
	_ =	strace $0x9FFFFFFF  }
0x3a: {  	(tm) =	ssettm $0x7FFFFFFF  }
0x3b: {  	_ =	shalt  }
tec
execute0_lowered:
.L_overlay_start_1:
0x0: {  	(tag) =	ssettag $0x1  }
0x1: {  	s0 =	srdreg.scid  }
0x2: {  	s1 =	sshll.u32 s0, $0x4  }
0x3: {  	s0 =	stileid.u32;
	s1 =	sand.u32 $0x10, s1  }
0x4: {  	s1 =	sor.u32 s0, s1  }
0x5: {  	s6 =	rddreg [dreg:$0x0];
	s4 =	simm.s32 $0x1;
	s2 =	sshll.u32 s1, $0x7  }
0x6: {  	s7 =	simm.s32 $0x2;
	s12 =	simm.s32 $0x0;
	s1 =	ssub.s32 $0x1000, s2  }
0x7: {  	s8 =	simm.s32 $0x8000;
	s13 =	simm.s32 $0x0;
	s3 =	sand.u32 $0xF80, s1  }
0x8: {  	s9 =	simm.s32 $0x0;
	s5 =	sshrl.u32 s1, $0xC;
	p0 =	sne.s32 s3, $0x0  }
.Ltmp0:
0x9: {  	s1 =	rddreg [dreg:$0x2];
	s4 =	simm.s32 @!p0 $0x0;
	(pc) =	sbr.rel .LBB1_1-.Ltmp0, $4  }
0xa: {  	s11 =	simm.s32 $0x0;
	s3 =	rddreg [dreg:$0x1];
	s5 =	sadd.s32 s4, s5  }
0xb: {  	_ =	strace $0x8000004D;
	s4 =	simm.s32 $0x1;
	s5 =	smul.u32 $0xC8, s5  }
0xc: {  	s6 =	sadd.s32 $0xE00, s6;
	s10 =	smov.u32 s2;
	[sflag:s4] =	ssyncpa.u1 $0x0  }
0xd: {  	p0 =	por $0x0, $0x0;
	[sflag:s7] =	ssyncpa.u1 $0x0;
	s7 =	sor.u32 $0x1, s5  }
.LBB1_4:
0xe: {  	s16 =	sshll.u32 s13, $0x3;
	s17 =	sand.u32 $0x78, s13  }
0xf: {  	s30 =	sand.u32 $0x7E00, s13;
	s12 =	sshll.u32 s12, $0xF;
	s16 =	sand.u32 $0xC00, s16  }
0x10: {  	[tilespmem:s15+$0x810 ss:$0x81] =	vst.msk $0xffff, v2;
	s31 =	sand.u32 $0x7, s13;
	s16 =	sor.u32 s17, s16;
	s17 =	sadd.s32 s3, s30  }
0x11: {  	[tilespmem:s15+$0x1020 ss:$0x81] =	vst.msk $0xffff, v0;
	s13 =	sshll.u32 s31, $0x12;
	s12 =	sadd.s32 s12, s17;
	s16 =	sshrl.u32 s16, $0x3  }
0x12: {  	[tilespmem:s15+$0x0 ss:$0x81] =	vst.msk $0xffff, v1;
	s13 =	sor.u32 $0x400, s13;
	s12 =	sadd.s32 s16, s12  }
0x13: {  	[hbm4b:s12+s13] =	stream.strided.scatter [tilespmem:s14], [sflag:$0x2], $0x2000, s8, s13, $0x20;
	[tilespmem:$0x8080] =	vst v63  }
.LBB1_5:
0x14: {  	s14 =	sadd.s32 $0x1, s9  }
0x15: {  	s12 =	sadd.s32 $0x1000, s10;
	s16 =	smov.u32 s10;
	p2 =	sgt.s32 s14, $0xC7  }
0x16: {  	s16 =	smov.u32 @p2 s12  }
0x17: {  	s14 =	simm.s32 @p2 $0x0;
	p2 =	sgt.s32 s16, $0xFFF  }
0x18: {  	s16 =	smov.u32 @p2 s2;
	p2 =	sne.s32 s11, s7  }
.Ltmp1:
0x19: {  	p1 =	slt.u32 s11, $0x2;
	(pc) =	sbr.rel @!p2 .LBB1_6-.Ltmp1, $4  }
0x1a: {  	s15 =	simm.s32 @!p1 $0x2  }
0x1b: {  	s13 =	smov.u32 s10;
	p0 =	por !p0, !p0;
	_ =	swait.ge @!p1 [sflag:s15], $0x2000  }
0x1c: {  	s12 =	smov.u32 s9;
	[sflag:s15] =	ssyncset.done @!p1 $0x0;
	s9 =	smov.u32 s14  }
0x1d: {  	s11 =	sadd.s32 $0x1, s11;
	[sflag:s15] =	ssyncadd.s32 @!p1 $0xFFFFE000;
	s10 =	smov.u32 s16  }
.LBB1_1:
0x1e: {  	p1 =	sge.u32 s11, s5  }
0x1f: {  	s14 =	sand.u32 @!p1 $0x1FFFFFF, s9  }
0x20: {  	s15 =	smulhi.u32 @!p1 $0x147AE15, s14;
	_ =	sdelay $0x1  }
0x21: {  	s15 =	smul.u32 @!p1 $0xC8, s15  }
0x22: {  	s16 =	sxor.u32 @!p1 $0xFFFFFFFF, s11;
	s17 =	smul.u32 @!p1 $0xC80, s10  }
0x23: {  	s31 =	sadd.s32 $0xFFFFFFFF, s11;
	s16 =	sshll.u32 @!p1 s16, $0xD;
	s14 =	ssub.s32 @!p1 s14, s15  }
0x24: {  	s15 =	sand.u32 @!p1 $0x2000, s16;
	s16 =	sadd.s32 @!p1 s6, s17;
	s14 =	sshll.u32 @!p1 s14, $0x4  }
0x25: {  	s17 =	simm.s32 @!p1 $0x6400;
	s14 =	sadd.s32 @!p1 s14, s16;
	s16 =	simm.s32 @!p1 $0x40  }
0x26: {  	[tilespmem:s15], [sflag:$0x1] =	stream.strided.gather @!p1 [hbm4b:s14+s16], $0x2000, s17, s16, $0x38;
	[tilespmem:$0x8080] =	vst v63  }
0x27: {  	p1 =	sge.u32 s31, s5  }
.Ltmp2:
0x28: {  	_ = 	snop;
	(pc) =	sbr.rel @p1 .LBB1_5-.Ltmp2, $1  }
0x29: {  	_ =	sdelay $0x3  }
0x2a: {  	s14 =	simm.s32 $0x1  }
0x2b: {  	_ =	swait.ge [sflag:s4], $0x2000;
	s14 =	simm.s32 @!p0 $0x0  }
0x2c: {  	[sflag:s4] =	ssyncset.done $0x0;
	s15 =	sshll.u32 s14, $0xD  }
0x2d: {  	[sflag:s4] =	ssyncadd.s32 $0xFFFFE000;
	s18 =	sor.u32 $0x20, s15  }
0x2e: {  	s14 =	smul.u32 $0x8100, s14;
	v3 =	vld [tilespmem:s18+$0x10]  }
0x2f: {  	s30 =	sand.u32 $0x1, s11;
	v2 =	vld [tilespmem:s18+$0xFFFFFFF0]  }
0x30: {  	s15 =	smul.u32 $0x8100, s30;
	s14 =	sshrl.u32 s14, $0x2;
	v0 =	vld [tilespmem:s18+$0x0]  }
0x31: {  	v1 =	vld [tilespmem:s18+$0xFFFFFFE0];
	s16 =	sor.u32 $0x4000, s14  }
0x32: {  	s31 =	sshrl.u32 s15, $0x2;
	s15 =	sadd.s32 $0x0, s16  }
0x33: {  	s17 =	simm.s32 $0x4;
	s18 =	sadd.s32 $0x40, s18;
	s14 =	sor.u32 $0x4000, s31;
	[tilespmem:s15+$0x1830 ss:$0x81] =	vst.msk $0xffff, v3  }
.LBB1_3:
0x34: {  	v3 =	vld [tilespmem:s18+$0x10];
	p1 =	sne.s32 s17, $0x1FC;
	[tilespmem:s15+$0x810 ss:$0x81] =	vst.msk $0xffff, v2;
	s19 =	smov.u32 s17;
	s17 =	sadd.s32 $0x4, s17  }
.Ltmp3:
0x35: {  	v2 =	vld [tilespmem:s18+$0xFFFFFFF0];
	[tilespmem:s15+$0x1020 ss:$0x81] =	vst.msk $0xffff, v0;
	(pc) =	sbr.rel @p1 .LBB1_3-.Ltmp3, $4  }
0x36: {  	v0 =	vld [tilespmem:s18+$0x0];
	[tilespmem:s15+$0x0 ss:$0x81] =	vst.msk $0xffff, v1  }
0x37: {  	s15 =	sshra.s32 s19, $0x2;
	v1 =	vld [tilespmem:s18+$0xFFFFFFE0]  }
0x38: {  	s15 =	sadd.s32 s15, s16  }
0x39: {  	s18 =	sadd.s32 $0x40, s18;
	[tilespmem:s15+$0x1830 ss:$0x81] =	vst.msk $0xffff, v3  }
.Ltmp4:
0x3a: {  	_ = 	snop;
	(pc) =	sbr.rel .LBB1_4-.Ltmp4, $1  }
0x3b: {  	_ =	sdelay $0x3  }
.LBB1_6:
0x3c: {  	_ =	sfence.sel $0x180000  }
0x3d: {  	s2 =	simm.s32 $0x1;
	[bflag:$0x0] =	sbarrier.arrive $0xFFFF  }
0x3e: {  	s31 =	simm.s32 $0x2;
	[sflag:s2] =	ssyncpa.u1 $0x1  }
0x3f: {  	[sflag:s31] =	ssyncpa.u1 $0x1  }
0x40: {  	p0 =	sne.s32 s0, $0x0;
	_ =	strace $0x9000004D  }
0x41: {  	s0 =	sadd.s32 @!p0 $0x100000, s1;
	[bflag:$0x2] =	sbarrier.arrive $0xFFFF  }
0x42: {  	[sflag:s0] =	ssyncadd.tile.s32 @!p0 $0x1;
	_ =	shalt  }
.Lfunc_end1:
_tile_overlayer_lowered:
.L_overlay_start_2:
0x43: {  	(tag) =	ssettag $0x2  }
0x44: {  	s0 =	rddreg [dreg:$0x0];
	s2 =	stileid.u32  }
0x45: {  	s1 =	rddreg [dreg:$0x1];
	p0 =	sne.s32 s2, $0x0  }
0x46: {  	s3 =	rddreg [dreg:$0x2];
	[bflag:$0x3] =	sbarrier.arrive $0xFFFF;
	s2 =	simm.s32 @!p0 $0x1C01  }
0x47: {  	[timem:s3], [sflag:s2] =	dma.local @!p0 [hbm:s0], s1  }
0x48: {  	s0 =	simm.s32 @!p0 $0x1  }
0x49: {  	_ =	swait.ge @!p0 [sflag:s0], s1  }
0x4a: {  	s1 =	ssub.s32 @!p0 $0x0, s1;
	[sflag:s0] =	ssyncset.done @!p0 $0x0  }
0x4b: {  	[sflag:s0] =	ssyncadd.s32 @!p0 s1  }
0x4c: {  	[bflag:$0x3] =	sbarrier.arrive $0xFFFF  }
0x4d: {  	_ =	shalt  }

</sc_bundles>
